<compile_context>
chip_gen: v7x
topology: tpu7x:2x2x1
jax: 0.10.2.dev20260603
libtpu: 0.0.44.dev20260713+nightly
codegen_flags: <defaults>
</compile_context>

<pallas_src>
import functools

import jax
import jax.numpy as jnp
from jax import lax
from jax.experimental import pallas as pl
from jax.experimental.pallas import tpu as pltpu
from jax.experimental.pallas import tpu_sc as plsc

N = 10000
E = 320000
D = 128
NG = 64

NUM_SC = 2
NUM_TILES = 16
NW = NUM_SC * NUM_TILES
CH = 128
NBUF = 3
NCHUNK = 81
EPW = CH * NCHUNK
EPAD = EPW * NW
ROWS_PER_TILE = 624
ROWS_REM = N - ROWS_PER_TILE * NUM_TILES


def _h_body(x_ref, w1_ref, b1_ref, h_ref):
    h_ref[...] = (
        jnp.dot(x_ref[...], w1_ref[...], preferred_element_type=jnp.float32)
        + b1_ref[...][None, :]
    )


def _compute_h(x, W1, b1):
    return pl.pallas_call(
        _h_body,
        out_shape=jax.ShapeDtypeStruct((N, D), jnp.float32),
    )(x, W1, b1)


WBLK = 16384


def _w_body(ea_ref, we_ref, w_ref):
    g = jnp.exp(-(ea_ref[...] ** 2))
    w = jnp.dot(g, we_ref[...], preferred_element_type=jnp.float32)
    w_ref[...] = w.reshape(WBLK // 128, 128)


def _compute_w(edge_attr, We):
    w2d = pl.pallas_call(
        _w_body,
        grid=((E + WBLK - 1) // WBLK,),
        in_specs=[
            pl.BlockSpec((WBLK, 4), lambda i: (i, 0)),
            pl.BlockSpec((4, 1), lambda i: (0, 0)),
        ],
        out_specs=pl.BlockSpec((WBLK // 128, 128), lambda i: (i, 0)),
        out_shape=jax.ShapeDtypeStruct((E // 128, 128), jnp.float32),
    )(edge_attr, We)
    return w2d.reshape(E)


def _sc_body(h_hbm, src_hbm, dst_hbm, w_hbm, zeros_hbm, out_hbm,
             srcs, dsts, ws, rows, acc_sh, sem_i, sem_g, sem_s):
    c = lax.axis_index("c")
    s = lax.axis_index("s")
    wid = c * NUM_TILES + s
    ebase = wid * EPW

    pltpu.sync_copy(
        zeros_hbm.at[pl.ds(s * ROWS_PER_TILE, ROWS_PER_TILE)],
        acc_sh.at[pl.ds(s * ROWS_PER_TILE, ROWS_PER_TILE)],
    )

    @pl.when(s == 0)
    def _():
        pltpu.sync_copy(
            zeros_hbm.at[pl.ds(NUM_TILES * ROWS_PER_TILE, ROWS_REM)],
            acc_sh.at[pl.ds(NUM_TILES * ROWS_PER_TILE, ROWS_REM)],
        )

    def start_idx(i, b):
        base = ebase + i * CH
        pltpu.async_copy(src_hbm.at[pl.ds(base, CH)], srcs[b], sem_i[b])
        pltpu.async_copy(dst_hbm.at[pl.ds(base, CH)], dsts[b], sem_i[b])
        pltpu.async_copy(w_hbm.at[pl.ds(base, CH)], ws[b], sem_i[b])

    def wait_idx(b):
        pltpu.make_async_copy(src_hbm.at[pl.ds(0, CH)], srcs[b],
                              sem_i[b]).wait()
        pltpu.make_async_copy(dst_hbm.at[pl.ds(0, CH)], dsts[b],
                              sem_i[b]).wait()
        pltpu.make_async_copy(w_hbm.at[pl.ds(0, CH)], ws[b], sem_i[b]).wait()

    def start_gather(b):
        pltpu.async_copy(h_hbm.at[srcs[b]], rows[b], sem_g[b])

    def wait_gather(b):
        pltpu.make_async_copy(h_hbm.at[srcs[b]], rows[b], sem_g[b]).wait()

    def start_scatter(b):
        pltpu.async_copy(rows[b], acc_sh.at[dsts[b]], sem_s[b], add=True)

    def wait_scatter(b):
        pltpu.make_async_copy(rows[b], acc_sh.at[dsts[b]], sem_s[b]).wait()

    start_idx(0, 0)
    start_idx(1, 1)
    wait_idx(0)
    start_gather(0)

    def outer(o, carry):
        for k in range(NBUF):
            i = o * NBUF + k
            nb = (k + 1) % NBUF
            n2 = (k + 2) % NBUF

            @pl.when(i + 1 < NCHUNK)
            def _():
                wait_idx(nb)
                start_gather(nb)

            wait_gather(k)

            def edge(e, carry2):
                wv = plsc.load_gather(ws[k], [jnp.full((16,), 0, jnp.int32) + e])
                for f in range(D // 16):
                    sl = pl.ds(f * 16, 16)
                    rows[k][e, sl] = rows[k][e, sl] * wv
                return carry2

            lax.fori_loop(0, CH, edge, 0, unroll=4)
            start_scatter(k)

            @pl.when(i + 2 < NCHUNK)
            def _():
                @pl.when(i + 2 >= NBUF)
                def _():
                    wait_scatter(n2)
                start_idx(i + 2, n2)
        return carry

    lax.fori_loop(0, NCHUNK // NBUF, outer, 0)
    for k in range(NBUF):
        wait_scatter(k)

    plsc.subcore_barrier()
    pltpu.sync_copy(
        acc_sh.at[pl.ds(s * ROWS_PER_TILE, ROWS_PER_TILE)],
        out_hbm.at[c, pl.ds(s * ROWS_PER_TILE, ROWS_PER_TILE)],
    )

    @pl.when(s == 0)
    def _():
        pltpu.sync_copy(
            acc_sh.at[pl.ds(NUM_TILES * ROWS_PER_TILE, ROWS_REM)],
            out_hbm.at[c, pl.ds(NUM_TILES * ROWS_PER_TILE, ROWS_REM)],
        )


def _sc_entry(h_hbm, src_hbm, dst_hbm, w_hbm, zeros_hbm, out_hbm,
              sr0, sr1, sr2, ds0, ds1, ds2, w0, w1, w2,
              r0, r1, r2, acc_sh,
              i0, i1, i2, g0, g1, g2, s0, s1, s2):
    _sc_body(h_hbm, src_hbm, dst_hbm, w_hbm, zeros_hbm, out_hbm,
             [sr0, sr1, sr2], [ds0, ds1, ds2], [w0, w1, w2],
             [r0, r1, r2], acc_sh,
             [i0, i1, i2], [g0, g1, g2], [s0, s1, s2])


@functools.cache
def _sc_aggregate_fn():
    return pl.kernel(
        _sc_entry,
        out_type=jax.ShapeDtypeStruct((NUM_SC, N, D), jnp.float32),
        mesh=plsc.VectorSubcoreMesh(core_axis_name="c", subcore_axis_name="s",
                                    num_cores=NUM_SC, num_subcores=NUM_TILES),
        scratch_types=(
            [pltpu.VMEM((CH,), jnp.int32) for _ in range(NBUF)]
            + [pltpu.VMEM((CH,), jnp.int32) for _ in range(NBUF)]
            + [pltpu.VMEM((CH,), jnp.float32) for _ in range(NBUF)]
            + [pltpu.VMEM((CH, D), jnp.float32) for _ in range(NBUF)]
            + [pltpu.VMEM_SHARED((N, D), jnp.float32)]
            + [pltpu.SemaphoreType.DMA for _ in range(3 * NBUF)]
        ),
        compiler_params=pltpu.CompilerParams(needs_layout_passes=False),
    )


def _sc_aggregate(h, src, dst, w, zeros):
    return _sc_aggregate_fn()(h, src, dst, w, zeros)


def _tail_body(acc_ref, h_ref, batch_ref, gfeat_ref, wc_ref, bc_ref, out_ref):
    agg = acc_ref[0] + acc_ref[1]
    ge = jnp.maximum(agg + h_ref[...], 0.0)
    ids = lax.broadcasted_iota(jnp.int32, (N, NG), 1)
    onehot = (batch_ref[...][:, None] == ids).astype(jnp.float32)
    pooled = lax.dot_general(
        onehot, ge, (((0,), (0,)), ((), ())),
        preferred_element_type=jnp.float32,
    )
    wc = wc_ref[...]
    head = lax.dot_general(
        pooled, wc[:D, :], (((1,), (0,)), ((), ())),
        preferred_element_type=jnp.float32,
    )
    gpart = jnp.dot(gfeat_ref[...], wc[D:, :],
                    preferred_element_type=jnp.float32)
    out_ref[...] = head + gpart + bc_ref[...][None, :]


def _tail(acc2, h, batch, gfeat, Wc, bc):
    nc = Wc.shape[1]
    return pl.pallas_call(
        _tail_body,
        out_shape=jax.ShapeDtypeStruct((NG, nc), jnp.float32),
    )(acc2, h, batch, gfeat, Wc, bc)


def kernel(x, edge_attr, W1, b1, We, gfeat, Wc, bc, edge_index, batch):
    src = edge_index[0].astype(jnp.int32)
    dst = edge_index[1].astype(jnp.int32)
    h = _compute_h(x, W1, b1)
    w = _compute_w(edge_attr, We)
    pad_idx = jnp.arange(EPAD - E, dtype=jnp.int32) % N
    src_p = jnp.concatenate([src, pad_idx])
    dst_p = jnp.concatenate([dst, pad_idx])
    w_p = jnp.concatenate([w, jnp.zeros((EPAD - E,), jnp.float32)])
    zeros = jnp.zeros((N, D), jnp.float32)
    acc2 = _sc_aggregate(h, src_p, dst_p, w_p, zeros)
    return _tail(acc2, h, batch, gfeat, Wc, bc)

# --- scband reference (transcript-rebuilt; emitter-appended) ---
"""Pipeline reference for scband-graph-explainer-wrapper-24893630447843 (READ-ONLY COPY).

The authoritative reference and input builder live on the scoring server;
editing this copy changes nothing except your own understanding.
"""

import jax, jax.numpy as jnp
import numpy as np

N = 10000
E = 320000
D = 128
DE = 4
DG = 32
NG = 64
NC = 8
SIGMA = 1.0


def setup_inputs(seed: int = 0) -> dict:
    key = jax.random.key(seed)
    ks = jax.random.split(key, 10)
    x = jax.random.normal(ks[0], (N, D), dtype=jnp.float32)
    edge_index = jax.random.randint(ks[1], (2, E), 0, N)
    edge_attr = jax.random.normal(ks[2], (E, DE), dtype=jnp.float32)
    batch = jnp.sort(jax.random.randint(ks[3], (N,), 0, NG))
    # learned params (frozen in the wrapper, but materialized for the forward)
    W1 = jax.random.normal(ks[4], (D, D), dtype=jnp.float32) * 0.05
    b1 = jnp.zeros((D,), dtype=jnp.float32)
    We = jax.random.normal(ks[5], (DE, 1), dtype=jnp.float32) * 0.5
    gfeat = jax.random.normal(ks[6], (1, DG), dtype=jnp.float32)
    Wc = jax.random.normal(ks[7], (D + DG, NC), dtype=jnp.float32) * 0.05
    bc = jnp.zeros((NC,), dtype=jnp.float32)
    return {"x": x, "edge_attr": edge_attr, "W1": W1, "b1": b1, "We": We,
            "gfeat": gfeat, "Wc": Wc, "bc": bc,
            "edge_index": edge_index, "batch": batch}


def reference(x, edge_attr, W1, b1, We, gfeat, Wc, bc, edge_index, batch):
    # edge attribute gaussian kernel (wrapper)
    edge_attr_exp = jnp.exp(-edge_attr ** 2 / (SIGMA ** 2))
    # jepa_model: simple message-passing layer
    h = x @ W1 + b1
    src = edge_index[0]
    dst = edge_index[1]
    w = edge_attr_exp @ We  # [E, 1]
    msg = h[src] * w  # gather + scale
    agg = jax.ops.segment_sum(msg, dst, num_segments=N)  # scatter-add
    graph_emb = jax.nn.relu(agg + h)
    # global_add_pool over graph ids
    pooled = jax.ops.segment_sum(graph_emb, batch, num_segments=NG)
    # concat broadcast global features
    glob = jnp.broadcast_to(gfeat, (NG, DG))
    combined = jnp.concatenate([pooled, glob], axis=-1)
    # classifier: linear head
    return combined @ Wc + bc

if __name__ == "__main__":
    import jax
    _d = setup_inputs()
    print(jax.jit(kernel)(*tuple(_d.values())))

</pallas_src>

<mosaic_0001>
#map = affine_map<(d0, d1) -> (0, 0)>
#map1 = affine_map<(d0, d1) -> (0)>
#map2 = affine_map<(d0, d1) -> (0, 0, 0)>
module attributes {stable_mosaic.version = 14 : i64} {
  func.func @_sc_entry(%arg0: i32, %arg1: i32, %arg2: memref<10000x128xf32, #tpu.memory_space<hbm>>, %arg3: memref<331776xi32, #tpu.memory_space<hbm>>, %arg4: memref<331776xi32, #tpu.memory_space<hbm>>, %arg5: memref<331776xf32, #tpu.memory_space<hbm>>, %arg6: memref<10000x128xf32, #tpu.memory_space<hbm>>, %arg7: memref<2x10000x128xf32, #tpu.memory_space<hbm>>, %arg8: memref<128xi32, #tpu.memory_space<vmem>>, %arg9: memref<128xi32, #tpu.memory_space<vmem>>, %arg10: memref<128xi32, #tpu.memory_space<vmem>>, %arg11: memref<128xi32, #tpu.memory_space<vmem>>, %arg12: memref<128xi32, #tpu.memory_space<vmem>>, %arg13: memref<128xi32, #tpu.memory_space<vmem>>, %arg14: memref<128xf32, #tpu.memory_space<vmem>>, %arg15: memref<128xf32, #tpu.memory_space<vmem>>, %arg16: memref<128xf32, #tpu.memory_space<vmem>>, %arg17: memref<128x128xf32, #tpu.memory_space<vmem>>, %arg18: memref<128x128xf32, #tpu.memory_space<vmem>>, %arg19: memref<128x128xf32, #tpu.memory_space<vmem>>, %arg20: memref<10000x128xf32, #tpu.memory_space<vmem_shared>>, %arg21: memref<!tpu.dma_semaphore, #tpu.memory_space<semaphore_mem>>, %arg22: memref<!tpu.dma_semaphore, #tpu.memory_space<semaphore_mem>>, %arg23: memref<!tpu.dma_semaphore, #tpu.memory_space<semaphore_mem>>, %arg24: memref<!tpu.dma_semaphore, #tpu.memory_space<semaphore_mem>>, %arg25: memref<!tpu.dma_semaphore, #tpu.memory_space<semaphore_mem>>, %arg26: memref<!tpu.dma_semaphore, #tpu.memory_space<semaphore_mem>>, %arg27: memref<!tpu.dma_semaphore, #tpu.memory_space<semaphore_mem>>, %arg28: memref<!tpu.dma_semaphore, #tpu.memory_space<semaphore_mem>>, %arg29: memref<!tpu.dma_semaphore, #tpu.memory_space<semaphore_mem>>) attributes {dimension_semantics = [#tpu.dimension_semantics<core_parallel>, #tpu.dimension_semantics<subcore_parallel>], iteration_bounds = array<i64: 2, 16>, scalar_prefetch = 0 : i64, scratch_operands = 22 : i64, tpu.core_type = #tpu.core_type<sc_vector_subcore>, window_params = [{transform_indices = #map}, {transform_indices = #map1}, {transform_indices = #map1}, {transform_indices = #map1}, {transform_indices = #map}, {transform_indices = #map2}]} {
    %mul3A = arith.constant 16 : i32
    %mul3A_0 = arith.muli %arg0, %mul3A : i32
    %add3A = arith.addi %mul3A_0, %arg1 : i32
    %mul3A_1 = arith.constant 10368 : i32
    %mul3A_2 = arith.muli %add3A, %mul3A_1 : i32
    %mul3A_3 = arith.constant 624 : i32
    %mul3A_4 = arith.muli %arg1, %mul3A_3 : i32
    %mul3A_5 = arith.constant 624 : i32
    %mul3A_6 = arith.muli %arg1, %mul3A_5 : i32
    "tpu.region"() ({
      %run_scoped3A = tpu.sem_alloc : memref<!tpu.dma_semaphore, #tpu.memory_space<semaphore_mem>>
      %dma_start3A_61 = arith.constant 0 : i32
      %dma_start3A_62 = tpu.memref_slice %arg20[%mul3A_6, %dma_start3A_61] : memref<10000x128xf32, #tpu.memory_space<vmem_shared>> -> memref<624x128xf32, #tpu.memory_space<vmem_shared>>
      %dma_start3A_63 = arith.constant 0 : i32
      %dma_start3A_64 = tpu.memref_slice %arg6[%mul3A_4, %dma_start3A_63] : memref<10000x128xf32, #tpu.memory_space<hbm>> -> memref<624x128xf32, #tpu.memory_space<hbm>>
      tpu.enqueue_dma source(%dma_start3A_64 : memref<624x128xf32, #tpu.memory_space<hbm>>) target(%dma_start3A_62 : memref<624x128xf32, #tpu.memory_space<vmem_shared>>) target_semaphore(%run_scoped3A : memref<!tpu.dma_semaphore, #tpu.memory_space<semaphore_mem>>)
      %dma_wait3A_65 = arith.constant 0 : i32
      %dma_wait3A_66 = tpu.memref_slice %arg20[%mul3A_6, %dma_wait3A_65] : memref<10000x128xf32, #tpu.memory_space<vmem_shared>> -> memref<624x128xf32, #tpu.memory_space<vmem_shared>>
      %dma_wait3A_67 = arith.constant 0 : i32
      %dma_wait3A_68 = tpu.memref_slice %arg6[%mul3A_4, %dma_wait3A_67] : memref<10000x128xf32, #tpu.memory_space<hbm>> -> memref<624x128xf32, #tpu.memory_space<hbm>>
      tpu.wait_dma2 semaphore(%run_scoped3A : memref<!tpu.dma_semaphore, #tpu.memory_space<semaphore_mem>>) src(%dma_wait3A_68 : memref<624x128xf32, #tpu.memory_space<hbm>>) dst(%dma_wait3A_66 : memref<624x128xf32, #tpu.memory_space<vmem_shared>>)
      tpu.yield
    }) : () -> ()
    %eq3A = arith.constant 0 : i32
    %eq3A_7 = arith.cmpi eq, %arg1, %eq3A : i32
    %convert_element_type3A = arith.extui %eq3A_7 : i1 to i32
    %cond3A = arith.constant 0 : i32
    %cond3A_8 = arith.cmpi ne, %convert_element_type3A, %cond3A : i32
    scf.if %cond3A_8 {
      "tpu.region"() ({
        %run_scoped3A = tpu.sem_alloc : memref<!tpu.dma_semaphore, #tpu.memory_space<semaphore_mem>>
        %dma_start3A_61 = arith.constant 9984 : i32
        %dma_start3A_62 = arith.constant 0 : i32
        %dma_start3A_63 = tpu.memref_slice %arg20[%dma_start3A_61, %dma_start3A_62] : memref<10000x128xf32, #tpu.memory_space<vmem_shared>> -> memref<16x128xf32, #tpu.memory_space<vmem_shared>>
        %dma_start3A_64 = arith.constant 9984 : i32
        %dma_start3A_65 = arith.constant 0 : i32
        %dma_start3A_66 = tpu.memref_slice %arg6[%dma_start3A_64, %dma_start3A_65] : memref<10000x128xf32, #tpu.memory_space<hbm>> -> memref<16x128xf32, #tpu.memory_space<hbm>>
        tpu.enqueue_dma source(%dma_start3A_66 : memref<16x128xf32, #tpu.memory_space<hbm>>) target(%dma_start3A_63 : memref<16x128xf32, #tpu.memory_space<vmem_shared>>) target_semaphore(%run_scoped3A : memref<!tpu.dma_semaphore, #tpu.memory_space<semaphore_mem>>)
        %dma_wait3A_67 = arith.constant 9984 : i32
        %dma_wait3A_68 = arith.constant 0 : i32
        %dma_wait3A_69 = tpu.memref_slice %arg20[%dma_wait3A_67, %dma_wait3A_68] : memref<10000x128xf32, #tpu.memory_space<vmem_shared>> -> memref<16x128xf32, #tpu.memory_space<vmem_shared>>
        %dma_wait3A_70 = arith.constant 9984 : i32
        %dma_wait3A_71 = arith.constant 0 : i32
        %dma_wait3A_72 = tpu.memref_slice %arg6[%dma_wait3A_70, %dma_wait3A_71] : memref<10000x128xf32, #tpu.memory_space<hbm>> -> memref<16x128xf32, #tpu.memory_space<hbm>>
        tpu.wait_dma2 semaphore(%run_scoped3A : memref<!tpu.dma_semaphore, #tpu.memory_space<semaphore_mem>>) src(%dma_wait3A_72 : memref<16x128xf32, #tpu.memory_space<hbm>>) dst(%dma_wait3A_69 : memref<16x128xf32, #tpu.memory_space<vmem_shared>>)
        tpu.yield
      }) : () -> ()
    } else {
    }
    %add3A_9 = arith.constant 0 : i32
    %add3A_10 = arith.addi %mul3A_2, %add3A_9 : i32
    %dma_start3A = tpu.memref_slice %arg3[%add3A_10] : memref<331776xi32, #tpu.memory_space<hbm>> -> memref<128xi32, #tpu.memory_space<hbm>>
    %dma_start3A_11 = tpu.memref_slice %arg3[%add3A_10] : memref<331776xi32, #tpu.memory_space<hbm>> -> memref<128xi32, #tpu.memory_space<hbm>>
    tpu.enqueue_dma source(%dma_start3A_11 : memref<128xi32, #tpu.memory_space<hbm>>) target(%arg8 : memref<128xi32, #tpu.memory_space<vmem>>) target_semaphore(%arg21 : memref<!tpu.dma_semaphore, #tpu.memory_space<semaphore_mem>>)
    %dma_start3A_12 = tpu.memref_slice %arg4[%add3A_10] : memref<331776xi32, #tpu.memory_space<hbm>> -> memref<128xi32, #tpu.memory_space<hbm>>
    %dma_start3A_13 = tpu.memref_slice %arg4[%add3A_10] : memref<331776xi32, #tpu.memory_space<hbm>> -> memref<128xi32, #tpu.memory_space<hbm>>
    tpu.enqueue_dma source(%dma_start3A_13 : memref<128xi32, #tpu.memory_space<hbm>>) target(%arg11 : memref<128xi32, #tpu.memory_space<vmem>>) target_semaphore(%arg21 : memref<!tpu.dma_semaphore, #tpu.memory_space<semaphore_mem>>)
    %dma_start3A_14 = tpu.memref_slice %arg5[%add3A_10] : memref<331776xf32, #tpu.memory_space<hbm>> -> memref<128xf32, #tpu.memory_space<hbm>>
    %dma_start3A_15 = tpu.memref_slice %arg5[%add3A_10] : memref<331776xf32, #tpu.memory_space<hbm>> -> memref<128xf32, #tpu.memory_space<hbm>>
    tpu.enqueue_dma source(%dma_start3A_15 : memref<128xf32, #tpu.memory_space<hbm>>) target(%arg14 : memref<128xf32, #tpu.memory_space<vmem>>) target_semaphore(%arg21 : memref<!tpu.dma_semaphore, #tpu.memory_space<semaphore_mem>>)
    %add3A_16 = arith.constant 128 : i32
    %add3A_17 = arith.addi %mul3A_2, %add3A_16 : i32
    %dma_start3A_18 = tpu.memref_slice %arg3[%add3A_17] : memref<331776xi32, #tpu.memory_space<hbm>> -> memref<128xi32, #tpu.memory_space<hbm>>
    %dma_start3A_19 = tpu.memref_slice %arg3[%add3A_17] : memref<331776xi32, #tpu.memory_space<hbm>> -> memref<128xi32, #tpu.memory_space<hbm>>
    tpu.enqueue_dma source(%dma_start3A_19 : memref<128xi32, #tpu.memory_space<hbm>>) target(%arg9 : memref<128xi32, #tpu.memory_space<vmem>>) target_semaphore(%arg22 : memref<!tpu.dma_semaphore, #tpu.memory_space<semaphore_mem>>)
    %dma_start3A_20 = tpu.memref_slice %arg4[%add3A_17] : memref<331776xi32, #tpu.memory_space<hbm>> -> memref<128xi32, #tpu.memory_space<hbm>>
    %dma_start3A_21 = tpu.memref_slice %arg4[%add3A_17] : memref<331776xi32, #tpu.memory_space<hbm>> -> memref<128xi32, #tpu.memory_space<hbm>>
    tpu.enqueue_dma source(%dma_start3A_21 : memref<128xi32, #tpu.memory_space<hbm>>) target(%arg12 : memref<128xi32, #tpu.memory_space<vmem>>) target_semaphore(%arg22 : memref<!tpu.dma_semaphore, #tpu.memory_space<semaphore_mem>>)
    %dma_start3A_22 = tpu.memref_slice %arg5[%add3A_17] : memref<331776xf32, #tpu.memory_space<hbm>> -> memref<128xf32, #tpu.memory_space<hbm>>
    %dma_start3A_23 = tpu.memref_slice %arg5[%add3A_17] : memref<331776xf32, #tpu.memory_space<hbm>> -> memref<128xf32, #tpu.memory_space<hbm>>
    tpu.enqueue_dma source(%dma_start3A_23 : memref<128xf32, #tpu.memory_space<hbm>>) target(%arg15 : memref<128xf32, #tpu.memory_space<vmem>>) target_semaphore(%arg22 : memref<!tpu.dma_semaphore, #tpu.memory_space<semaphore_mem>>)
    %dma_wait3A = arith.constant 0 : i32
    %dma_wait3A_24 = tpu.memref_slice %arg3[%dma_wait3A] : memref<331776xi32, #tpu.memory_space<hbm>> -> memref<128xi32, #tpu.memory_space<hbm>>
    %dma_wait3A_25 = arith.constant 0 : i32
    %dma_wait3A_26 = tpu.memref_slice %arg3[%dma_wait3A_25] : memref<331776xi32, #tpu.memory_space<hbm>> -> memref<128xi32, #tpu.memory_space<hbm>>
    tpu.wait_dma2 semaphore(%arg21 : memref<!tpu.dma_semaphore, #tpu.memory_space<semaphore_mem>>) src(%dma_wait3A_26 : memref<128xi32, #tpu.memory_space<hbm>>) dst(%arg8 : memref<128xi32, #tpu.memory_space<vmem>>)
    %dma_wait3A_27 = arith.constant 0 : i32
    %dma_wait3A_28 = tpu.memref_slice %arg4[%dma_wait3A_27] : memref<331776xi32, #tpu.memory_space<hbm>> -> memref<128xi32, #tpu.memory_space<hbm>>
    %dma_wait3A_29 = arith.constant 0 : i32
    %dma_wait3A_30 = tpu.memref_slice %arg4[%dma_wait3A_29] : memref<331776xi32, #tpu.memory_space<hbm>> -> memref<128xi32, #tpu.memory_space<hbm>>
    tpu.wait_dma2 semaphore(%arg21 : memref<!tpu.dma_semaphore, #tpu.memory_space<semaphore_mem>>) src(%dma_wait3A_30 : memref<128xi32, #tpu.memory_space<hbm>>) dst(%arg11 : memref<128xi32, #tpu.memory_space<vmem>>)
    %dma_wait3A_31 = arith.constant 0 : i32
    %dma_wait3A_32 = tpu.memref_slice %arg5[%dma_wait3A_31] : memref<331776xf32, #tpu.memory_space<hbm>> -> memref<128xf32, #tpu.memory_space<hbm>>
    %dma_wait3A_33 = arith.constant 0 : i32
    %dma_wait3A_34 = tpu.memref_slice %arg5[%dma_wait3A_33] : memref<331776xf32, #tpu.memory_space<hbm>> -> memref<128xf32, #tpu.memory_space<hbm>>
    tpu.wait_dma2 semaphore(%arg21 : memref<!tpu.dma_semaphore, #tpu.memory_space<semaphore_mem>>) src(%dma_wait3A_34 : memref<128xf32, #tpu.memory_space<hbm>>) dst(%arg14 : memref<128xf32, #tpu.memory_space<vmem>>)
    %dma_start3A_35 = arith.constant 0 : i32
    %dma_start3A_36 = arith.constant 0 : i32
    %dma_start3A_37 = tpu.memref_slice %arg2[%dma_start3A_35, %dma_start3A_36] : memref<10000x128xf32, #tpu.memory_space<hbm>> -> memref<10000x128xf32, #tpu.memory_space<hbm>>
    tpu.enqueue_indirect_dma source(%dma_start3A_37 : memref<10000x128xf32, #tpu.memory_space<hbm>>) target(%arg17 : memref<128x128xf32, #tpu.memory_space<vmem>>) offsets(%arg8 : memref<128xi32, #tpu.memory_space<vmem>>) semaphore(%arg24 : memref<!tpu.dma_semaphore, #tpu.memory_space<semaphore_mem>>)
    %scan3A = arith.constant 0 : i32
    %scan3A_38 = arith.constant 0 : i32
    %scan3A_39 = arith.constant 27 : i32
    %scan3A_40 = arith.addi %scan3A_38, %scan3A_39 : i32
    %scan3A_41 = arith.constant 1 : i32
    scf.for %scan3A_61 = %scan3A_38 to %scan3A_40 step %scan3A_41  : i32 {
      %mul3A_62 = arith.constant 3 : i32
      %mul3A_63 = arith.muli %scan3A_61, %mul3A_62 : i32
      %add3A_64 = arith.constant 0 : i32
      %add3A_65 = arith.addi %mul3A_63, %add3A_64 : i32
      %add3A_66 = arith.constant 1 : i32
      %add3A_67 = arith.addi %add3A_65, %add3A_66 : i32
      %lt3A = arith.constant 81 : i32
      %lt3A_68 = arith.cmpi slt, %add3A_67, %lt3A : i32
      %convert_element_type3A_69 = arith.extui %lt3A_68 : i1 to i32
      %cond3A_70 = arith.constant 0 : i32
      %cond3A_71 = arith.cmpi ne, %convert_element_type3A_69, %cond3A_70 : i32
      scf.if %cond3A_71 {
        %dma_wait3A_151 = arith.constant 0 : i32
        %dma_wait3A_152 = tpu.memref_slice %arg3[%dma_wait3A_151] : memref<331776xi32, #tpu.memory_space<hbm>> -> memref<128xi32, #tpu.memory_space<hbm>>
        %dma_wait3A_153 = arith.constant 0 : i32
        %dma_wait3A_154 = tpu.memref_slice %arg3[%dma_wait3A_153] : memref<331776xi32, #tpu.memory_space<hbm>> -> memref<128xi32, #tpu.memory_space<hbm>>
        tpu.wait_dma2 semaphore(%arg22 : memref<!tpu.dma_semaphore, #tpu.memory_space<semaphore_mem>>) src(%dma_wait3A_154 : memref<128xi32, #tpu.memory_space<hbm>>) dst(%arg9 : memref<128xi32, #tpu.memory_space<vmem>>)
        %dma_wait3A_155 = arith.constant 0 : i32
        %dma_wait3A_156 = tpu.memref_slice %arg4[%dma_wait3A_155] : memref<331776xi32, #tpu.memory_space<hbm>> -> memref<128xi32, #tpu.memory_space<hbm>>
        %dma_wait3A_157 = arith.constant 0 : i32
        %dma_wait3A_158 = tpu.memref_slice %arg4[%dma_wait3A_157] : memref<331776xi32, #tpu.memory_space<hbm>> -> memref<128xi32, #tpu.memory_space<hbm>>
        tpu.wait_dma2 semaphore(%arg22 : memref<!tpu.dma_semaphore, #tpu.memory_space<semaphore_mem>>) src(%dma_wait3A_158 : memref<128xi32, #tpu.memory_space<hbm>>) dst(%arg12 : memref<128xi32, #tpu.memory_space<vmem>>)
        %dma_wait3A_159 = arith.constant 0 : i32
        %dma_wait3A_160 = tpu.memref_slice %arg5[%dma_wait3A_159] : memref<331776xf32, #tpu.memory_space<hbm>> -> memref<128xf32, #tpu.memory_space<hbm>>
        %dma_wait3A_161 = arith.constant 0 : i32
        %dma_wait3A_162 = tpu.memref_slice %arg5[%dma_wait3A_161] : memref<331776xf32, #tpu.memory_space<hbm>> -> memref<128xf32, #tpu.memory_space<hbm>>
        tpu.wait_dma2 semaphore(%arg22 : memref<!tpu.dma_semaphore, #tpu.memory_space<semaphore_mem>>) src(%dma_wait3A_162 : memref<128xf32, #tpu.memory_space<hbm>>) dst(%arg15 : memref<128xf32, #tpu.memory_space<vmem>>)
        %dma_start3A_163 = arith.constant 0 : i32
        %dma_start3A_164 = arith.constant 0 : i32
        %dma_start3A_165 = tpu.memref_slice %arg2[%dma_start3A_163, %dma_start3A_164] : memref<10000x128xf32, #tpu.memory_space<hbm>> -> memref<10000x128xf32, #tpu.memory_space<hbm>>
        tpu.enqueue_indirect_dma source(%dma_start3A_165 : memref<10000x128xf32, #tpu.memory_space<hbm>>) target(%arg18 : memref<128x128xf32, #tpu.memory_space<vmem>>) offsets(%arg9 : memref<128xi32, #tpu.memory_space<vmem>>) semaphore(%arg25 : memref<!tpu.dma_semaphore, #tpu.memory_space<semaphore_mem>>)
      } else {
      }
      %dma_wait3A_72 = arith.constant 0 : i32
      %dma_wait3A_73 = arith.constant 0 : i32
      %dma_wait3A_74 = tpu.memref_slice %arg2[%dma_wait3A_72, %dma_wait3A_73] : memref<10000x128xf32, #tpu.memory_space<hbm>> -> memref<10000x128xf32, #tpu.memory_space<hbm>>
      tpu.wait_indirect_dma semaphore(%arg24 : memref<!tpu.dma_semaphore, #tpu.memory_space<semaphore_mem>>) src(%dma_wait3A_74 : memref<10000x128xf32, #tpu.memory_space<hbm>>) dst(%arg17 : memref<128x128xf32, #tpu.memory_space<vmem>>)
      %scan3A_75 = arith.constant 0 : i32
      %scan3A_76 = arith.constant 0 : i32
      %scan3A_77 = arith.constant 128 : i32
      %scan3A_78 = arith.addi %scan3A_76, %scan3A_77 : i32
      %scan3A_79 = arith.constant 4 : i32
      scf.for %scan3A_151 = %scan3A_76 to %scan3A_78 step %scan3A_79  : i32 {
        %broadcast_in_dim3A = arith.constant 0 : i32
        %broadcast_in_dim3A_152 = vector.broadcast %broadcast_in_dim3A : i32 to vector<16xi32>
        %add3A_153 = vector.broadcast %scan3A_151 : i32 to vector<16xi32>
        %add3A_154 = arith.addi %broadcast_in_dim3A_152, %add3A_153 : vector<16xi32>
        %gather3A = tpu.vector_load_idx %arg14[%add3A_154] : memref<128xf32, #tpu.memory_space<vmem>>[vector<16xi32>], vector<16xf32>,
        %get3A = arith.index_cast %scan3A_151 : i32 to index
        %get3A_155 = arith.constant 0 : index
        %get3A_156 = tpu.vector_load %arg17[%get3A, %get3A_155] {strides = array<i32>} : memref<128x128xf32, #tpu.memory_space<vmem>>, vector<16xf32>,
        %mul3A_157 = arith.mulf %get3A_156, %gather3A : vector<16xf32>
        %swap3A = arith.index_cast %scan3A_151 : i32 to index
        %swap3A_158 = arith.constant 0 : index
        %swap3A_159 = tpu.vector_load %arg17[%swap3A, %swap3A_158] {strides = array<i32>} : memref<128x128xf32, #tpu.memory_space<vmem>>, vector<16xf32>,
        tpu.vector_store %arg17[%swap3A, %swap3A_158], %mul3A_157 {strides = array<i32>} : memref<128x128xf32, #tpu.memory_space<vmem>>, vector<16xf32>,
        %get3A_160 = arith.index_cast %scan3A_151 : i32 to index
        %get3A_161 = arith.constant 16 : index
        %get3A_162 = tpu.vector_load %arg17[%get3A_160, %get3A_161] {strides = array<i32>} : memref<128x128xf32, #tpu.memory_space<vmem>>, vector<16xf32>,
        %mul3A_163 = arith.mulf %get3A_162, %gather3A : vector<16xf32>
        %swap3A_164 = arith.index_cast %scan3A_151 : i32 to index
        %swap3A_165 = arith.constant 16 : index
        %swap3A_166 = tpu.vector_load %arg17[%swap3A_164, %swap3A_165] {strides = array<i32>} : memref<128x128xf32, #tpu.memory_space<vmem>>, vector<16xf32>,
        tpu.vector_store %arg17[%swap3A_164, %swap3A_165], %mul3A_163 {strides = array<i32>} : memref<128x128xf32, #tpu.memory_space<vmem>>, vector<16xf32>,
        %get3A_167 = arith.index_cast %scan3A_151 : i32 to index
        %get3A_168 = arith.constant 32 : index
        %get3A_169 = tpu.vector_load %arg17[%get3A_167, %get3A_168] {strides = array<i32>} : memref<128x128xf32, #tpu.memory_space<vmem>>, vector<16xf32>,
        %mul3A_170 = arith.mulf %get3A_169, %gather3A : vector<16xf32>
        %swap3A_171 = arith.index_cast %scan3A_151 : i32 to index
        %swap3A_172 = arith.constant 32 : index
        %swap3A_173 = tpu.vector_load %arg17[%swap3A_171, %swap3A_172] {strides = array<i32>} : memref<128x128xf32, #tpu.memory_space<vmem>>, vector<16xf32>,
        tpu.vector_store %arg17[%swap3A_171, %swap3A_172], %mul3A_170 {strides = array<i32>} : memref<128x128xf32, #tpu.memory_space<vmem>>, vector<16xf32>,
        %get3A_174 = arith.index_cast %scan3A_151 : i32 to index
        %get3A_175 = arith.constant 48 : index
        %get3A_176 = tpu.vector_load %arg17[%get3A_174, %get3A_175] {strides = array<i32>} : memref<128x128xf32, #tpu.memory_space<vmem>>, vector<16xf32>,
        %mul3A_177 = arith.mulf %get3A_176, %gather3A : vector<16xf32>
        %swap3A_178 = arith.index_cast %scan3A_151 : i32 to index
        %swap3A_179 = arith.constant 48 : index
        %swap3A_180 = tpu.vector_load %arg17[%swap3A_178, %swap3A_179] {strides = array<i32>} : memref<128x128xf32, #tpu.memory_space<vmem>>, vector<16xf32>,
        tpu.vector_store %arg17[%swap3A_178, %swap3A_179], %mul3A_177 {strides = array<i32>} : memref<128x128xf32, #tpu.memory_space<vmem>>, vector<16xf32>,
        %get3A_181 = arith.index_cast %scan3A_151 : i32 to index
        %get3A_182 = arith.constant 64 : index
        %get3A_183 = tpu.vector_load %arg17[%get3A_181, %get3A_182] {strides = array<i32>} : memref<128x128xf32, #tpu.memory_space<vmem>>, vector<16xf32>,
        %mul3A_184 = arith.mulf %get3A_183, %gather3A : vector<16xf32>
        %swap3A_185 = arith.index_cast %scan3A_151 : i32 to index
        %swap3A_186 = arith.constant 64 : index
        %swap3A_187 = tpu.vector_load %arg17[%swap3A_185, %swap3A_186] {strides = array<i32>} : memref<128x128xf32, #tpu.memory_space<vmem>>, vector<16xf32>,
        tpu.vector_store %arg17[%swap3A_185, %swap3A_186], %mul3A_184 {strides = array<i32>} : memref<128x128xf32, #tpu.memory_space<vmem>>, vector<16xf32>,
        %get3A_188 = arith.index_cast %scan3A_151 : i32 to index
        %get3A_189 = arith.constant 80 : index
        %get3A_190 = tpu.vector_load %arg17[%get3A_188, %get3A_189] {strides = array<i32>} : memref<128x128xf32, #tpu.memory_space<vmem>>, vector<16xf32>,
        %mul3A_191 = arith.mulf %get3A_190, %gather3A : vector<16xf32>
        %swap3A_192 = arith.index_cast %scan3A_151 : i32 to index
        %swap3A_193 = arith.constant 80 : index
        %swap3A_194 = tpu.vector_load %arg17[%swap3A_192, %swap3A_193] {strides = array<i32>} : memref<128x128xf32, #tpu.memory_space<vmem>>, vector<16xf32>,
        tpu.vector_store %arg17[%swap3A_192, %swap3A_193], %mul3A_191 {strides = array<i32>} : memref<128x128xf32, #tpu.memory_space<vmem>>, vector<16xf32>,
        %get3A_195 = arith.index_cast %scan3A_151 : i32 to index
        %get3A_196 = arith.constant 96 : index
        %get3A_197 = tpu.vector_load %arg17[%get3A_195, %get3A_196] {strides = array<i32>} : memref<128x128xf32, #tpu.memory_space<vmem>>, vector<16xf32>,
        %mul3A_198 = arith.mulf %get3A_197, %gather3A : vector<16xf32>
        %swap3A_199 = arith.index_cast %scan3A_151 : i32 to index
        %swap3A_200 = arith.constant 96 : index
        %swap3A_201 = tpu.vector_load %arg17[%swap3A_199, %swap3A_200] {strides = array<i32>} : memref<128x128xf32, #tpu.memory_space<vmem>>, vector<16xf32>,
        tpu.vector_store %arg17[%swap3A_199, %swap3A_200], %mul3A_198 {strides = array<i32>} : memref<128x128xf32, #tpu.memory_space<vmem>>, vector<16xf32>,
        %get3A_202 = arith.index_cast %scan3A_151 : i32 to index
        %get3A_203 = arith.constant 112 : index
        %get3A_204 = tpu.vector_load %arg17[%get3A_202, %get3A_203] {strides = array<i32>} : memref<128x128xf32, #tpu.memory_space<vmem>>, vector<16xf32>,
        %mul3A_205 = arith.mulf %get3A_204, %gather3A : vector<16xf32>
        %swap3A_206 = arith.index_cast %scan3A_151 : i32 to index
        %swap3A_207 = arith.constant 112 : index
        %swap3A_208 = tpu.vector_load %arg17[%swap3A_206, %swap3A_207] {strides = array<i32>} : memref<128x128xf32, #tpu.memory_space<vmem>>, vector<16xf32>,
        tpu.vector_store %arg17[%swap3A_206, %swap3A_207], %mul3A_205 {strides = array<i32>} : memref<128x128xf32, #tpu.memory_space<vmem>>, vector<16xf32>,
        %scan3A_209 = arith.constant 1 : i32
        %scan3A_210 = arith.addi %scan3A_151, %scan3A_209 : i32
        %broadcast_in_dim3A_211 = arith.constant 0 : i32
        %broadcast_in_dim3A_212 = vector.broadcast %broadcast_in_dim3A_211 : i32 to vector<16xi32>
        %add3A_213 = vector.broadcast %scan3A_210 : i32 to vector<16xi32>
        %add3A_214 = arith.addi %broadcast_in_dim3A_212, %add3A_213 : vector<16xi32>
        %gather3A_215 = tpu.vector_load_idx %arg14[%add3A_214] : memref<128xf32, #tpu.memory_space<vmem>>[vector<16xi32>], vector<16xf32>,
        %get3A_216 = arith.index_cast %scan3A_210 : i32 to index
        %get3A_217 = arith.constant 0 : index
        %get3A_218 = tpu.vector_load %arg17[%get3A_216, %get3A_217] {strides = array<i32>} : memref<128x128xf32, #tpu.memory_space<vmem>>, vector<16xf32>,
        %mul3A_219 = arith.mulf %get3A_218, %gather3A_215 : vector<16xf32>
        %swap3A_220 = arith.index_cast %scan3A_210 : i32 to index
        %swap3A_221 = arith.constant 0 : index
        %swap3A_222 = tpu.vector_load %arg17[%swap3A_220, %swap3A_221] {strides = array<i32>} : memref<128x128xf32, #tpu.memory_space<vmem>>, vector<16xf32>,
        tpu.vector_store %arg17[%swap3A_220, %swap3A_221], %mul3A_219 {strides = array<i32>} : memref<128x128xf32, #tpu.memory_space<vmem>>, vector<16xf32>,
        %get3A_223 = arith.index_cast %scan3A_210 : i32 to index
        %get3A_224 = arith.constant 16 : index
        %get3A_225 = tpu.vector_load %arg17[%get3A_223, %get3A_224] {strides = array<i32>} : memref<128x128xf32, #tpu.memory_space<vmem>>, vector<16xf32>,
        %mul3A_226 = arith.mulf %get3A_225, %gather3A_215 : vector<16xf32>
        %swap3A_227 = arith.index_cast %scan3A_210 : i32 to index
        %swap3A_228 = arith.constant 16 : index
        %swap3A_229 = tpu.vector_load %arg17[%swap3A_227, %swap3A_228] {strides = array<i32>} : memref<128x128xf32, #tpu.memory_space<vmem>>, vector<16xf32>,
        tpu.vector_store %arg17[%swap3A_227, %swap3A_228], %mul3A_226 {strides = array<i32>} : memref<128x128xf32, #tpu.memory_space<vmem>>, vector<16xf32>,
        %get3A_230 = arith.index_cast %scan3A_210 : i32 to index
        %get3A_231 = arith.constant 32 : index
        %get3A_232 = tpu.vector_load %arg17[%get3A_230, %get3A_231] {strides = array<i32>} : memref<128x128xf32, #tpu.memory_space<vmem>>, vector<16xf32>,
        %mul3A_233 = arith.mulf %get3A_232, %gather3A_215 : vector<16xf32>
        %swap3A_234 = arith.index_cast %scan3A_210 : i32 to index
        %swap3A_235 = arith.constant 32 : index
        %swap3A_236 = tpu.vector_load %arg17[%swap3A_234, %swap3A_235] {strides = array<i32>} : memref<128x128xf32, #tpu.memory_space<vmem>>, vector<16xf32>,
        tpu.vector_store %arg17[%swap3A_234, %swap3A_235], %mul3A_233 {strides = array<i32>} : memref<128x128xf32, #tpu.memory_space<vmem>>, vector<16xf32>,
        %get3A_237 = arith.index_cast %scan3A_210 : i32 to index
        %get3A_238 = arith.constant 48 : index
        %get3A_239 = tpu.vector_load %arg17[%get3A_237, %get3A_238] {strides = array<i32>} : memref<128x128xf32, #tpu.memory_space<vmem>>, vector<16xf32>,
        %mul3A_240 = arith.mulf %get3A_239, %gather3A_215 : vector<16xf32>
        %swap3A_241 = arith.index_cast %scan3A_210 : i32 to index
        %swap3A_242 = arith.constant 48 : index
        %swap3A_243 = tpu.vector_load %arg17[%swap3A_241, %swap3A_242] {strides = array<i32>} : memref<128x128xf32, #tpu.memory_space<vmem>>, vector<16xf32>,
        tpu.vector_store %arg17[%swap3A_241, %swap3A_242], %mul3A_240 {strides = array<i32>} : memref<128x128xf32, #tpu.memory_space<vmem>>, vector<16xf32>,
        %get3A_244 = arith.index_cast %scan3A_210 : i32 to index
        %get3A_245 = arith.constant 64 : index
        %get3A_246 = tpu.vector_load %arg17[%get3A_244, %get3A_245] {strides = array<i32>} : memref<128x128xf32, #tpu.memory_space<vmem>>, vector<16xf32>,
        %mul3A_247 = arith.mulf %get3A_246, %gather3A_215 : vector<16xf32>
        %swap3A_248 = arith.index_cast %scan3A_210 : i32 to index
        %swap3A_249 = arith.constant 64 : index
        %swap3A_250 = tpu.vector_load %arg17[%swap3A_248, %swap3A_249] {strides = array<i32>} : memref<128x128xf32, #tpu.memory_space<vmem>>, vector<16xf32>,
        tpu.vector_store %arg17[%swap3A_248, %swap3A_249], %mul3A_247 {strides = array<i32>} : memref<128x128xf32, #tpu.memory_space<vmem>>, vector<16xf32>,
        %get3A_251 = arith.index_cast %scan3A_210 : i32 to index
        %get3A_252 = arith.constant 80 : index
        %get3A_253 = tpu.vector_load %arg17[%get3A_251, %get3A_252] {strides = array<i32>} : memref<128x128xf32, #tpu.memory_space<vmem>>, vector<16xf32>,
        %mul3A_254 = arith.mulf %get3A_253, %gather3A_215 : vector<16xf32>
        %swap3A_255 = arith.index_cast %scan3A_210 : i32 to index
        %swap3A_256 = arith.constant 80 : index
        %swap3A_257 = tpu.vector_load %arg17[%swap3A_255, %swap3A_256] {strides = array<i32>} : memref<128x128xf32, #tpu.memory_space<vmem>>, vector<16xf32>,
        tpu.vector_store %arg17[%swap3A_255, %swap3A_256], %mul3A_254 {strides = array<i32>} : memref<128x128xf32, #tpu.memory_space<vmem>>, vector<16xf32>,
        %get3A_258 = arith.index_cast %scan3A_210 : i32 to index
        %get3A_259 = arith.constant 96 : index
        %get3A_260 = tpu.vector_load %arg17[%get3A_258, %get3A_259] {strides = array<i32>} : memref<128x128xf32, #tpu.memory_space<vmem>>, vector<16xf32>,
        %mul3A_261 = arith.mulf %get3A_260, %gather3A_215 : vector<16xf32>
        %swap3A_262 = arith.index_cast %scan3A_210 : i32 to index
        %swap3A_263 = arith.constant 96 : index
        %swap3A_264 = tpu.vector_load %arg17[%swap3A_262, %swap3A_263] {strides = array<i32>} : memref<128x128xf32, #tpu.memory_space<vmem>>, vector<16xf32>,
        tpu.vector_store %arg17[%swap3A_262, %swap3A_263], %mul3A_261 {strides = array<i32>} : memref<128x128xf32, #tpu.memory_space<vmem>>, vector<16xf32>,
        %get3A_265 = arith.index_cast %scan3A_210 : i32 to index
        %get3A_266 = arith.constant 112 : index
        %get3A_267 = tpu.vector_load %arg17[%get3A_265, %get3A_266] {strides = array<i32>} : memref<128x128xf32, #tpu.memory_space<vmem>>, vector<16xf32>,
        %mul3A_268 = arith.mulf %get3A_267, %gather3A_215 : vector<16xf32>
        %swap3A_269 = arith.index_cast %scan3A_210 : i32 to index
        %swap3A_270 = arith.constant 112 : index
        %swap3A_271 = tpu.vector_load %arg17[%swap3A_269, %swap3A_270] {strides = array<i32>} : memref<128x128xf32, #tpu.memory_space<vmem>>, vector<16xf32>,
        tpu.vector_store %arg17[%swap3A_269, %swap3A_270], %mul3A_268 {strides = array<i32>} : memref<128x128xf32, #tpu.memory_space<vmem>>, vector<16xf32>,
        %scan3A_272 = arith.constant 2 : i32
        %scan3A_273 = arith.addi %scan3A_151, %scan3A_272 : i32
        %broadcast_in_dim3A_274 = arith.constant 0 : i32
        %broadcast_in_dim3A_275 = vector.broadcast %broadcast_in_dim3A_274 : i32 to vector<16xi32>
        %add3A_276 = vector.broadcast %scan3A_273 : i32 to vector<16xi32>
        %add3A_277 = arith.addi %broadcast_in_dim3A_275, %add3A_276 : vector<16xi32>
        %gather3A_278 = tpu.vector_load_idx %arg14[%add3A_277] : memref<128xf32, #tpu.memory_space<vmem>>[vector<16xi32>], vector<16xf32>,
        %get3A_279 = arith.index_cast %scan3A_273 : i32 to index
        %get3A_280 = arith.constant 0 : index
        %get3A_281 = tpu.vector_load %arg17[%get3A_279, %get3A_280] {strides = array<i32>} : memref<128x128xf32, #tpu.memory_space<vmem>>, vector<16xf32>,
        %mul3A_282 = arith.mulf %get3A_281, %gather3A_278 : vector<16xf32>
        %swap3A_283 = arith.index_cast %scan3A_273 : i32 to index
        %swap3A_284 = arith.constant 0 : index
        %swap3A_285 = tpu.vector_load %arg17[%swap3A_283, %swap3A_284] {strides = array<i32>} : memref<128x128xf32, #tpu.memory_space<vmem>>, vector<16xf32>,
        tpu.vector_store %arg17[%swap3A_283, %swap3A_284], %mul3A_282 {strides = array<i32>} : memref<128x128xf32, #tpu.memory_space<vmem>>, vector<16xf32>,
        %get3A_286 = arith.index_cast %scan3A_273 : i32 to index
        %get3A_287 = arith.constant 16 : index
        %get3A_288 = tpu.vector_load %arg17[%get3A_286, %get3A_287] {strides = array<i32>} : memref<128x128xf32, #tpu.memory_space<vmem>>, vector<16xf32>,
        %mul3A_289 = arith.mulf %get3A_288, %gather3A_278 : vector<16xf32>
        %swap3A_290 = arith.index_cast %scan3A_273 : i32 to index
        %swap3A_291 = arith.constant 16 : index
        %swap3A_292 = tpu.vector_load %arg17[%swap3A_290, %swap3A_291] {strides = array<i32>} : memref<128x128xf32, #tpu.memory_space<vmem>>, vector<16xf32>,
        tpu.vector_store %arg17[%swap3A_290, %swap3A_291], %mul3A_289 {strides = array<i32>} : memref<128x128xf32, #tpu.memory_space<vmem>>, vector<16xf32>,
        %get3A_293 = arith.index_cast %scan3A_273 : i32 to index
        %get3A_294 = arith.constant 32 : index
        %get3A_295 = tpu.vector_load %arg17[%get3A_293, %get3A_294] {strides = array<i32>} : memref<128x128xf32, #tpu.memory_space<vmem>>, vector<16xf32>,
        %mul3A_296 = arith.mulf %get3A_295, %gather3A_278 : vector<16xf32>
        %swap3A_297 = arith.index_cast %scan3A_273 : i32 to index
        %swap3A_298 = arith.constant 32 : index
        %swap3A_299 = tpu.vector_load %arg17[%swap3A_297, %swap3A_298] {strides = array<i32>} : memref<128x128xf32, #tpu.memory_space<vmem>>, vector<16xf32>,
        tpu.vector_store %arg17[%swap3A_297, %swap3A_298], %mul3A_296 {strides = array<i32>} : memref<128x128xf32, #tpu.memory_space<vmem>>, vector<16xf32>,
        %get3A_300 = arith.index_cast %scan3A_273 : i32 to index
        %get3A_301 = arith.constant 48 : index
        %get3A_302 = tpu.vector_load %arg17[%get3A_300, %get3A_301] {strides = array<i32>} : memref<128x128xf32, #tpu.memory_space<vmem>>, vector<16xf32>,
        %mul3A_303 = arith.mulf %get3A_302, %gather3A_278 : vector<16xf32>
        %swap3A_304 = arith.index_cast %scan3A_273 : i32 to index
        %swap3A_305 = arith.constant 48 : index
        %swap3A_306 = tpu.vector_load %arg17[%swap3A_304, %swap3A_305] {strides = array<i32>} : memref<128x128xf32, #tpu.memory_space<vmem>>, vector<16xf32>,
        tpu.vector_store %arg17[%swap3A_304, %swap3A_305], %mul3A_303 {strides = array<i32>} : memref<128x128xf32, #tpu.memory_space<vmem>>, vector<16xf32>,
        %get3A_307 = arith.index_cast %scan3A_273 : i32 to index
        %get3A_308 = arith.constant 64 : index
        %get3A_309 = tpu.vector_load %arg17[%get3A_307, %get3A_308] {strides = array<i32>} : memref<128x128xf32, #tpu.memory_space<vmem>>, vector<16xf32>,
        %mul3A_310 = arith.mulf %get3A_309, %gather3A_278 : vector<16xf32>
        %swap3A_311 = arith.index_cast %scan3A_273 : i32 to index
        %swap3A_312 = arith.constant 64 : index
        %swap3A_313 = tpu.vector_load %arg17[%swap3A_311, %swap3A_312] {strides = array<i32>} : memref<128x128xf32, #tpu.memory_space<vmem>>, vector<16xf32>,
        tpu.vector_store %arg17[%swap3A_311, %swap3A_312], %mul3A_310 {strides = array<i32>} : memref<128x128xf32, #tpu.memory_space<vmem>>, vector<16xf32>,
        %get3A_314 = arith.index_cast %scan3A_273 : i32 to index
        %get3A_315 = arith.constant 80 : index
        %get3A_316 = tpu.vector_load %arg17[%get3A_314, %get3A_315] {strides = array<i32>} : memref<128x128xf32, #tpu.memory_space<vmem>>, vector<16xf32>,
        %mul3A_317 = arith.mulf %get3A_316, %gather3A_278 : vector<16xf32>
        %swap3A_318 = arith.index_cast %scan3A_273 : i32 to index
        %swap3A_319 = arith.constant 80 : index
        %swap3A_320 = tpu.vector_load %arg17[%swap3A_318, %swap3A_319] {strides = array<i32>} : memref<128x128xf32, #tpu.memory_space<vmem>>, vector<16xf32>,
        tpu.vector_store %arg17[%swap3A_318, %swap3A_319], %mul3A_317 {strides = array<i32>} : memref<128x128xf32, #tpu.memory_space<vmem>>, vector<16xf32>,
        %get3A_321 = arith.index_cast %scan3A_273 : i32 to index
        %get3A_322 = arith.constant 96 : index
        %get3A_323 = tpu.vector_load %arg17[%get3A_321, %get3A_322] {strides = array<i32>} : memref<128x128xf32, #tpu.memory_space<vmem>>, vector<16xf32>,
        %mul3A_324 = arith.mulf %get3A_323, %gather3A_278 : vector<16xf32>
        %swap3A_325 = arith.index_cast %scan3A_273 : i32 to index
        %swap3A_326 = arith.constant 96 : index
        %swap3A_327 = tpu.vector_load %arg17[%swap3A_325, %swap3A_326] {strides = array<i32>} : memref<128x128xf32, #tpu.memory_space<vmem>>, vector<16xf32>,
        tpu.vector_store %arg17[%swap3A_325, %swap3A_326], %mul3A_324 {strides = array<i32>} : memref<128x128xf32, #tpu.memory_space<vmem>>, vector<16xf32>,
        %get3A_328 = arith.index_cast %scan3A_273 : i32 to index
        %get3A_329 = arith.constant 112 : index
        %get3A_330 = tpu.vector_load %arg17[%get3A_328, %get3A_329] {strides = array<i32>} : memref<128x128xf32, #tpu.memory_space<vmem>>, vector<16xf32>,
        %mul3A_331 = arith.mulf %get3A_330, %gather3A_278 : vector<16xf32>
        %swap3A_332 = arith.index_cast %scan3A_273 : i32 to index
        %swap3A_333 = arith.constant 112 : index
        %swap3A_334 = tpu.vector_load %arg17[%swap3A_332, %swap3A_333] {strides = array<i32>} : memref<128x128xf32, #tpu.memory_space<vmem>>, vector<16xf32>,
        tpu.vector_store %arg17[%swap3A_332, %swap3A_333], %mul3A_331 {strides = array<i32>} : memref<128x128xf32, #tpu.memory_space<vmem>>, vector<16xf32>,
        %scan3A_335 = arith.constant 3 : i32
        %scan3A_336 = arith.addi %scan3A_151, %scan3A_335 : i32
        %broadcast_in_dim3A_337 = arith.constant 0 : i32
        %broadcast_in_dim3A_338 = vector.broadcast %broadcast_in_dim3A_337 : i32 to vector<16xi32>
        %add3A_339 = vector.broadcast %scan3A_336 : i32 to vector<16xi32>
        %add3A_340 = arith.addi %broadcast_in_dim3A_338, %add3A_339 : vector<16xi32>
        %gather3A_341 = tpu.vector_load_idx %arg14[%add3A_340] : memref<128xf32, #tpu.memory_space<vmem>>[vector<16xi32>], vector<16xf32>,
        %get3A_342 = arith.index_cast %scan3A_336 : i32 to index
        %get3A_343 = arith.constant 0 : index
        %get3A_344 = tpu.vector_load %arg17[%get3A_342, %get3A_343] {strides = array<i32>} : memref<128x128xf32, #tpu.memory_space<vmem>>, vector<16xf32>,
        %mul3A_345 = arith.mulf %get3A_344, %gather3A_341 : vector<16xf32>
        %swap3A_346 = arith.index_cast %scan3A_336 : i32 to index
        %swap3A_347 = arith.constant 0 : index
        %swap3A_348 = tpu.vector_load %arg17[%swap3A_346, %swap3A_347] {strides = array<i32>} : memref<128x128xf32, #tpu.memory_space<vmem>>, vector<16xf32>,
        tpu.vector_store %arg17[%swap3A_346, %swap3A_347], %mul3A_345 {strides = array<i32>} : memref<128x128xf32, #tpu.memory_space<vmem>>, vector<16xf32>,
        %get3A_349 = arith.index_cast %scan3A_336 : i32 to index
        %get3A_350 = arith.constant 16 : index
        %get3A_351 = tpu.vector_load %arg17[%get3A_349, %get3A_350] {strides = array<i32>} : memref<128x128xf32, #tpu.memory_space<vmem>>, vector<16xf32>,
        %mul3A_352 = arith.mulf %get3A_351, %gather3A_341 : vector<16xf32>
        %swap3A_353 = arith.index_cast %scan3A_336 : i32 to index
        %swap3A_354 = arith.constant 16 : index
        %swap3A_355 = tpu.vector_load %arg17[%swap3A_353, %swap3A_354] {strides = array<i32>} : memref<128x128xf32, #tpu.memory_space<vmem>>, vector<16xf32>,
        tpu.vector_store %arg17[%swap3A_353, %swap3A_354], %mul3A_352 {strides = array<i32>} : memref<128x128xf32, #tpu.memory_space<vmem>>, vector<16xf32>,
        %get3A_356 = arith.index_cast %scan3A_336 : i32 to index
        %get3A_357 = arith.constant 32 : index
        %get3A_358 = tpu.vector_load %arg17[%get3A_356, %get3A_357] {strides = array<i32>} : memref<128x128xf32, #tpu.memory_space<vmem>>, vector<16xf32>,
        %mul3A_359 = arith.mulf %get3A_358, %gather3A_341 : vector<16xf32>
        %swap3A_360 = arith.index_cast %scan3A_336 : i32 to index
        %swap3A_361 = arith.constant 32 : index
        %swap3A_362 = tpu.vector_load %arg17[%swap3A_360, %swap3A_361] {strides = array<i32>} : memref<128x128xf32, #tpu.memory_space<vmem>>, vector<16xf32>,
        tpu.vector_store %arg17[%swap3A_360, %swap3A_361], %mul3A_359 {strides = array<i32>} : memref<128x128xf32, #tpu.memory_space<vmem>>, vector<16xf32>,
        %get3A_363 = arith.index_cast %scan3A_336 : i32 to index
        %get3A_364 = arith.constant 48 : index
        %get3A_365 = tpu.vector_load %arg17[%get3A_363, %get3A_364] {strides = array<i32>} : memref<128x128xf32, #tpu.memory_space<vmem>>, vector<16xf32>,
        %mul3A_366 = arith.mulf %get3A_365, %gather3A_341 : vector<16xf32>
        %swap3A_367 = arith.index_cast %scan3A_336 : i32 to index
        %swap3A_368 = arith.constant 48 : index
        %swap3A_369 = tpu.vector_load %arg17[%swap3A_367, %swap3A_368] {strides = array<i32>} : memref<128x128xf32, #tpu.memory_space<vmem>>, vector<16xf32>,
        tpu.vector_store %arg17[%swap3A_367, %swap3A_368], %mul3A_366 {strides = array<i32>} : memref<128x128xf32, #tpu.memory_space<vmem>>, vector<16xf32>,
        %get3A_370 = arith.index_cast %scan3A_336 : i32 to index
        %get3A_371 = arith.constant 64 : index
        %get3A_372 = tpu.vector_load %arg17[%get3A_370, %get3A_371] {strides = array<i32>} : memref<128x128xf32, #tpu.memory_space<vmem>>, vector<16xf32>,
        %mul3A_373 = arith.mulf %get3A_372, %gather3A_341 : vector<16xf32>
        %swap3A_374 = arith.index_cast %scan3A_336 : i32 to index
        %swap3A_375 = arith.constant 64 : index
        %swap3A_376 = tpu.vector_load %arg17[%swap3A_374, %swap3A_375] {strides = array<i32>} : memref<128x128xf32, #tpu.memory_space<vmem>>, vector<16xf32>,
        tpu.vector_store %arg17[%swap3A_374, %swap3A_375], %mul3A_373 {strides = array<i32>} : memref<128x128xf32, #tpu.memory_space<vmem>>, vector<16xf32>,
        %get3A_377 = arith.index_cast %scan3A_336 : i32 to index
        %get3A_378 = arith.constant 80 : index
        %get3A_379 = tpu.vector_load %arg17[%get3A_377, %get3A_378] {strides = array<i32>} : memref<128x128xf32, #tpu.memory_space<vmem>>, vector<16xf32>,
        %mul3A_380 = arith.mulf %get3A_379, %gather3A_341 : vector<16xf32>
        %swap3A_381 = arith.index_cast %scan3A_336 : i32 to index
        %swap3A_382 = arith.constant 80 : index
        %swap3A_383 = tpu.vector_load %arg17[%swap3A_381, %swap3A_382] {strides = array<i32>} : memref<128x128xf32, #tpu.memory_space<vmem>>, vector<16xf32>,
        tpu.vector_store %arg17[%swap3A_381, %swap3A_382], %mul3A_380 {strides = array<i32>} : memref<128x128xf32, #tpu.memory_space<vmem>>, vector<16xf32>,
        %get3A_384 = arith.index_cast %scan3A_336 : i32 to index
        %get3A_385 = arith.constant 96 : index
        %get3A_386 = tpu.vector_load %arg17[%get3A_384, %get3A_385] {strides = array<i32>} : memref<128x128xf32, #tpu.memory_space<vmem>>, vector<16xf32>,
        %mul3A_387 = arith.mulf %get3A_386, %gather3A_341 : vector<16xf32>
        %swap3A_388 = arith.index_cast %scan3A_336 : i32 to index
        %swap3A_389 = arith.constant 96 : index
        %swap3A_390 = tpu.vector_load %arg17[%swap3A_388, %swap3A_389] {strides = array<i32>} : memref<128x128xf32, #tpu.memory_space<vmem>>, vector<16xf32>,
        tpu.vector_store %arg17[%swap3A_388, %swap3A_389], %mul3A_387 {strides = array<i32>} : memref<128x128xf32, #tpu.memory_space<vmem>>, vector<16xf32>,
        %get3A_391 = arith.index_cast %scan3A_336 : i32 to index
        %get3A_392 = arith.constant 112 : index
        %get3A_393 = tpu.vector_load %arg17[%get3A_391, %get3A_392] {strides = array<i32>} : memref<128x128xf32, #tpu.memory_space<vmem>>, vector<16xf32>,
        %mul3A_394 = arith.mulf %get3A_393, %gather3A_341 : vector<16xf32>
        %swap3A_395 = arith.index_cast %scan3A_336 : i32 to index
        %swap3A_396 = arith.constant 112 : index
        %swap3A_397 = tpu.vector_load %arg17[%swap3A_395, %swap3A_396] {strides = array<i32>} : memref<128x128xf32, #tpu.memory_space<vmem>>, vector<16xf32>,
        tpu.vector_store %arg17[%swap3A_395, %swap3A_396], %mul3A_394 {strides = array<i32>} : memref<128x128xf32, #tpu.memory_space<vmem>>, vector<16xf32>,
      }
      %scan3A_80 = arith.constant 128 : i32
      %dma_start3A_81 = arith.constant 0 : i32
      %dma_start3A_82 = arith.constant 0 : i32
      %dma_start3A_83 = tpu.memref_slice %arg20[%dma_start3A_81, %dma_start3A_82] : memref<10000x128xf32, #tpu.memory_space<vmem_shared>> -> memref<10000x128xf32, #tpu.memory_space<vmem_shared>>
      tpu.enqueue_indirect_dma source(%arg17 : memref<128x128xf32, #tpu.memory_space<vmem>>) target(%dma_start3A_83 : memref<10000x128xf32, #tpu.memory_space<vmem_shared>>) offsets(%arg11 : memref<128xi32, #tpu.memory_space<vmem>>) semaphore(%arg27 : memref<!tpu.dma_semaphore, #tpu.memory_space<semaphore_mem>>) {add = true}
      %add3A_84 = arith.constant 2 : i32
      %add3A_85 = arith.addi %add3A_65, %add3A_84 : i32
      %lt3A_86 = arith.constant 81 : i32
      %lt3A_87 = arith.cmpi slt, %add3A_85, %lt3A_86 : i32
      %convert_element_type3A_88 = arith.extui %lt3A_87 : i1 to i32
      %cond3A_89 = arith.constant 0 : i32
      %cond3A_90 = arith.cmpi ne, %convert_element_type3A_88, %cond3A_89 : i32
      scf.if %cond3A_90 {
        %add3A_151 = arith.constant 2 : i32
        %add3A_152 = arith.addi %add3A_65, %add3A_151 : i32
        %ge3A = arith.constant 3 : i32
        %ge3A_153 = arith.cmpi sge, %add3A_152, %ge3A : i32
        %convert_element_type3A_154 = arith.extui %ge3A_153 : i1 to i32
        %cond3A_155 = arith.constant 0 : i32
        %cond3A_156 = arith.cmpi ne, %convert_element_type3A_154, %cond3A_155 : i32
        scf.if %cond3A_156 {
          %dma_wait3A_168 = arith.constant 0 : i32
          %dma_wait3A_169 = arith.constant 0 : i32
          %dma_wait3A_170 = tpu.memref_slice %arg20[%dma_wait3A_168, %dma_wait3A_169] : memref<10000x128xf32, #tpu.memory_space<vmem_shared>> -> memref<10000x128xf32, #tpu.memory_space<vmem_shared>>
          tpu.wait_indirect_dma semaphore(%arg29 : memref<!tpu.dma_semaphore, #tpu.memory_space<semaphore_mem>>) src(%arg19 : memref<128x128xf32, #tpu.memory_space<vmem>>) dst(%dma_wait3A_170 : memref<10000x128xf32, #tpu.memory_space<vmem_shared>>)
        } else {
        }
        %add3A_157 = arith.constant 2 : i32
        %add3A_158 = arith.addi %add3A_65, %add3A_157 : i32
        %mul3A_159 = arith.constant 128 : i32
        %mul3A_160 = arith.muli %add3A_158, %mul3A_159 : i32
        %add3A_161 = arith.addi %mul3A_2, %mul3A_160 : i32
        %dma_start3A_162 = tpu.memref_slice %arg3[%add3A_161] : memref<331776xi32, #tpu.memory_space<hbm>> -> memref<128xi32, #tpu.memory_space<hbm>>
        %dma_start3A_163 = tpu.memref_slice %arg3[%add3A_161] : memref<331776xi32, #tpu.memory_space<hbm>> -> memref<128xi32, #tpu.memory_space<hbm>>
        tpu.enqueue_dma source(%dma_start3A_163 : memref<128xi32, #tpu.memory_space<hbm>>) target(%arg10 : memref<128xi32, #tpu.memory_space<vmem>>) target_semaphore(%arg23 : memref<!tpu.dma_semaphore, #tpu.memory_space<semaphore_mem>>)
        %dma_start3A_164 = tpu.memref_slice %arg4[%add3A_161] : memref<331776xi32, #tpu.memory_space<hbm>> -> memref<128xi32, #tpu.memory_space<hbm>>
        %dma_start3A_165 = tpu.memref_slice %arg4[%add3A_161] : memref<331776xi32, #tpu.memory_space<hbm>> -> memref<128xi32, #tpu.memory_space<hbm>>
        tpu.enqueue_dma source(%dma_start3A_165 : memref<128xi32, #tpu.memory_space<hbm>>) target(%arg13 : memref<128xi32, #tpu.memory_space<vmem>>) target_semaphore(%arg23 : memref<!tpu.dma_semaphore, #tpu.memory_space<semaphore_mem>>)
        %dma_start3A_166 = tpu.memref_slice %arg5[%add3A_161] : memref<331776xf32, #tpu.memory_space<hbm>> -> memref<128xf32, #tpu.memory_space<hbm>>
        %dma_start3A_167 = tpu.memref_slice %arg5[%add3A_161] : memref<331776xf32, #tpu.memory_space<hbm>> -> memref<128xf32, #tpu.memory_space<hbm>>
        tpu.enqueue_dma source(%dma_start3A_167 : memref<128xf32, #tpu.memory_space<hbm>>) target(%arg16 : memref<128xf32, #tpu.memory_space<vmem>>) target_semaphore(%arg23 : memref<!tpu.dma_semaphore, #tpu.memory_space<semaphore_mem>>)
      } else {
      }
      %mul3A_91 = arith.constant 3 : i32
      %mul3A_92 = arith.muli %scan3A_61, %mul3A_91 : i32
      %add3A_93 = arith.constant 1 : i32
      %add3A_94 = arith.addi %mul3A_92, %add3A_93 : i32
      %add3A_95 = arith.constant 1 : i32
      %add3A_96 = arith.addi %add3A_94, %add3A_95 : i32
      %lt3A_97 = arith.constant 81 : i32
      %lt3A_98 = arith.cmpi slt, %add3A_96, %lt3A_97 : i32
      %convert_element_type3A_99 = arith.extui %lt3A_98 : i1 to i32
      %cond3A_100 = arith.constant 0 : i32
      %cond3A_101 = arith.cmpi ne, %convert_element_type3A_99, %cond3A_100 : i32
      scf.if %cond3A_101 {
        %dma_wait3A_151 = arith.constant 0 : i32
        %dma_wait3A_152 = tpu.memref_slice %arg3[%dma_wait3A_151] : memref<331776xi32, #tpu.memory_space<hbm>> -> memref<128xi32, #tpu.memory_space<hbm>>
        %dma_wait3A_153 = arith.constant 0 : i32
        %dma_wait3A_154 = tpu.memref_slice %arg3[%dma_wait3A_153] : memref<331776xi32, #tpu.memory_space<hbm>> -> memref<128xi32, #tpu.memory_space<hbm>>
        tpu.wait_dma2 semaphore(%arg23 : memref<!tpu.dma_semaphore, #tpu.memory_space<semaphore_mem>>) src(%dma_wait3A_154 : memref<128xi32, #tpu.memory_space<hbm>>) dst(%arg10 : memref<128xi32, #tpu.memory_space<vmem>>)
        %dma_wait3A_155 = arith.constant 0 : i32
        %dma_wait3A_156 = tpu.memref_slice %arg4[%dma_wait3A_155] : memref<331776xi32, #tpu.memory_space<hbm>> -> memref<128xi32, #tpu.memory_space<hbm>>
        %dma_wait3A_157 = arith.constant 0 : i32
        %dma_wait3A_158 = tpu.memref_slice %arg4[%dma_wait3A_157] : memref<331776xi32, #tpu.memory_space<hbm>> -> memref<128xi32, #tpu.memory_space<hbm>>
        tpu.wait_dma2 semaphore(%arg23 : memref<!tpu.dma_semaphore, #tpu.memory_space<semaphore_mem>>) src(%dma_wait3A_158 : memref<128xi32, #tpu.memory_space<hbm>>) dst(%arg13 : memref<128xi32, #tpu.memory_space<vmem>>)
        %dma_wait3A_159 = arith.constant 0 : i32
        %dma_wait3A_160 = tpu.memref_slice %arg5[%dma_wait3A_159] : memref<331776xf32, #tpu.memory_space<hbm>> -> memref<128xf32, #tpu.memory_space<hbm>>
        %dma_wait3A_161 = arith.constant 0 : i32
        %dma_wait3A_162 = tpu.memref_slice %arg5[%dma_wait3A_161] : memref<331776xf32, #tpu.memory_space<hbm>> -> memref<128xf32, #tpu.memory_space<hbm>>
        tpu.wait_dma2 semaphore(%arg23 : memref<!tpu.dma_semaphore, #tpu.memory_space<semaphore_mem>>) src(%dma_wait3A_162 : memref<128xf32, #tpu.memory_space<hbm>>) dst(%arg16 : memref<128xf32, #tpu.memory_space<vmem>>)
        %dma_start3A_163 = arith.constant 0 : i32
        %dma_start3A_164 = arith.constant 0 : i32
        %dma_start3A_165 = tpu.memref_slice %arg2[%dma_start3A_163, %dma_start3A_164] : memref<10000x128xf32, #tpu.memory_space<hbm>> -> memref<10000x128xf32, #tpu.memory_space<hbm>>
        tpu.enqueue_indirect_dma source(%dma_start3A_165 : memref<10000x128xf32, #tpu.memory_space<hbm>>) target(%arg19 : memref<128x128xf32, #tpu.memory_space<vmem>>) offsets(%arg10 : memref<128xi32, #tpu.memory_space<vmem>>) semaphore(%arg26 : memref<!tpu.dma_semaphore, #tpu.memory_space<semaphore_mem>>)
      } else {
      }
      %dma_wait3A_102 = arith.constant 0 : i32
      %dma_wait3A_103 = arith.constant 0 : i32
      %dma_wait3A_104 = tpu.memref_slice %arg2[%dma_wait3A_102, %dma_wait3A_103] : memref<10000x128xf32, #tpu.memory_space<hbm>> -> memref<10000x128xf32, #tpu.memory_space<hbm>>
      tpu.wait_indirect_dma semaphore(%arg25 : memref<!tpu.dma_semaphore, #tpu.memory_space<semaphore_mem>>) src(%dma_wait3A_104 : memref<10000x128xf32, #tpu.memory_space<hbm>>) dst(%arg18 : memref<128x128xf32, #tpu.memory_space<vmem>>)
      %scan3A_105 = arith.constant 0 : i32
      %scan3A_106 = arith.constant 0 : i32
      %scan3A_107 = arith.constant 128 : i32
      %scan3A_108 = arith.addi %scan3A_106, %scan3A_107 : i32
      %scan3A_109 = arith.constant 4 : i32
      scf.for %scan3A_151 = %scan3A_106 to %scan3A_108 step %scan3A_109  : i32 {
        %broadcast_in_dim3A = arith.constant 0 : i32
        %broadcast_in_dim3A_152 = vector.broadcast %broadcast_in_dim3A : i32 to vector<16xi32>
        %add3A_153 = vector.broadcast %scan3A_151 : i32 to vector<16xi32>
        %add3A_154 = arith.addi %broadcast_in_dim3A_152, %add3A_153 : vector<16xi32>
        %gather3A = tpu.vector_load_idx %arg15[%add3A_154] : memref<128xf32, #tpu.memory_space<vmem>>[vector<16xi32>], vector<16xf32>,
        %get3A = arith.index_cast %scan3A_151 : i32 to index
        %get3A_155 = arith.constant 0 : index
        %get3A_156 = tpu.vector_load %arg18[%get3A, %get3A_155] {strides = array<i32>} : memref<128x128xf32, #tpu.memory_space<vmem>>, vector<16xf32>,
        %mul3A_157 = arith.mulf %get3A_156, %gather3A : vector<16xf32>
        %swap3A = arith.index_cast %scan3A_151 : i32 to index
        %swap3A_158 = arith.constant 0 : index
        %swap3A_159 = tpu.vector_load %arg18[%swap3A, %swap3A_158] {strides = array<i32>} : memref<128x128xf32, #tpu.memory_space<vmem>>, vector<16xf32>,
        tpu.vector_store %arg18[%swap3A, %swap3A_158], %mul3A_157 {strides = array<i32>} : memref<128x128xf32, #tpu.memory_space<vmem>>, vector<16xf32>,
        %get3A_160 = arith.index_cast %scan3A_151 : i32 to index
        %get3A_161 = arith.constant 16 : index
        %get3A_162 = tpu.vector_load %arg18[%get3A_160, %get3A_161] {strides = array<i32>} : memref<128x128xf32, #tpu.memory_space<vmem>>, vector<16xf32>,
        %mul3A_163 = arith.mulf %get3A_162, %gather3A : vector<16xf32>
        %swap3A_164 = arith.index_cast %scan3A_151 : i32 to index
        %swap3A_165 = arith.constant 16 : index
        %swap3A_166 = tpu.vector_load %arg18[%swap3A_164, %swap3A_165] {strides = array<i32>} : memref<128x128xf32, #tpu.memory_space<vmem>>, vector<16xf32>,
        tpu.vector_store %arg18[%swap3A_164, %swap3A_165], %mul3A_163 {strides = array<i32>} : memref<128x128xf32, #tpu.memory_space<vmem>>, vector<16xf32>,
        %get3A_167 = arith.index_cast %scan3A_151 : i32 to index
        %get3A_168 = arith.constant 32 : index
        %get3A_169 = tpu.vector_load %arg18[%get3A_167, %get3A_168] {strides = array<i32>} : memref<128x128xf32, #tpu.memory_space<vmem>>, vector<16xf32>,
        %mul3A_170 = arith.mulf %get3A_169, %gather3A : vector<16xf32>
        %swap3A_171 = arith.index_cast %scan3A_151 : i32 to index
        %swap3A_172 = arith.constant 32 : index
        %swap3A_173 = tpu.vector_load %arg18[%swap3A_171, %swap3A_172] {strides = array<i32>} : memref<128x128xf32, #tpu.memory_space<vmem>>, vector<16xf32>,
        tpu.vector_store %arg18[%swap3A_171, %swap3A_172], %mul3A_170 {strides = array<i32>} : memref<128x128xf32, #tpu.memory_space<vmem>>, vector<16xf32>,
        %get3A_174 = arith.index_cast %scan3A_151 : i32 to index
        %get3A_175 = arith.constant 48 : index
        %get3A_176 = tpu.vector_load %arg18[%get3A_174, %get3A_175] {strides = array<i32>} : memref<128x128xf32, #tpu.memory_space<vmem>>, vector<16xf32>,
        %mul3A_177 = arith.mulf %get3A_176, %gather3A : vector<16xf32>
        %swap3A_178 = arith.index_cast %scan3A_151 : i32 to index
        %swap3A_179 = arith.constant 48 : index
        %swap3A_180 = tpu.vector_load %arg18[%swap3A_178, %swap3A_179] {strides = array<i32>} : memref<128x128xf32, #tpu.memory_space<vmem>>, vector<16xf32>,
        tpu.vector_store %arg18[%swap3A_178, %swap3A_179], %mul3A_177 {strides = array<i32>} : memref<128x128xf32, #tpu.memory_space<vmem>>, vector<16xf32>,
        %get3A_181 = arith.index_cast %scan3A_151 : i32 to index
        %get3A_182 = arith.constant 64 : index
        %get3A_183 = tpu.vector_load %arg18[%get3A_181, %get3A_182] {strides = array<i32>} : memref<128x128xf32, #tpu.memory_space<vmem>>, vector<16xf32>,
        %mul3A_184 = arith.mulf %get3A_183, %gather3A : vector<16xf32>
        %swap3A_185 = arith.index_cast %scan3A_151 : i32 to index
        %swap3A_186 = arith.constant 64 : index
        %swap3A_187 = tpu.vector_load %arg18[%swap3A_185, %swap3A_186] {strides = array<i32>} : memref<128x128xf32, #tpu.memory_space<vmem>>, vector<16xf32>,
        tpu.vector_store %arg18[%swap3A_185, %swap3A_186], %mul3A_184 {strides = array<i32>} : memref<128x128xf32, #tpu.memory_space<vmem>>, vector<16xf32>,
        %get3A_188 = arith.index_cast %scan3A_151 : i32 to index
        %get3A_189 = arith.constant 80 : index
        %get3A_190 = tpu.vector_load %arg18[%get3A_188, %get3A_189] {strides = array<i32>} : memref<128x128xf32, #tpu.memory_space<vmem>>, vector<16xf32>,
        %mul3A_191 = arith.mulf %get3A_190, %gather3A : vector<16xf32>
        %swap3A_192 = arith.index_cast %scan3A_151 : i32 to index
        %swap3A_193 = arith.constant 80 : index
        %swap3A_194 = tpu.vector_load %arg18[%swap3A_192, %swap3A_193] {strides = array<i32>} : memref<128x128xf32, #tpu.memory_space<vmem>>, vector<16xf32>,
        tpu.vector_store %arg18[%swap3A_192, %swap3A_193], %mul3A_191 {strides = array<i32>} : memref<128x128xf32, #tpu.memory_space<vmem>>, vector<16xf32>,
        %get3A_195 = arith.index_cast %scan3A_151 : i32 to index
        %get3A_196 = arith.constant 96 : index
        %get3A_197 = tpu.vector_load %arg18[%get3A_195, %get3A_196] {strides = array<i32>} : memref<128x128xf32, #tpu.memory_space<vmem>>, vector<16xf32>,
        %mul3A_198 = arith.mulf %get3A_197, %gather3A : vector<16xf32>
        %swap3A_199 = arith.index_cast %scan3A_151 : i32 to index
        %swap3A_200 = arith.constant 96 : index
        %swap3A_201 = tpu.vector_load %arg18[%swap3A_199, %swap3A_200] {strides = array<i32>} : memref<128x128xf32, #tpu.memory_space<vmem>>, vector<16xf32>,
        tpu.vector_store %arg18[%swap3A_199, %swap3A_200], %mul3A_198 {strides = array<i32>} : memref<128x128xf32, #tpu.memory_space<vmem>>, vector<16xf32>,
        %get3A_202 = arith.index_cast %scan3A_151 : i32 to index
        %get3A_203 = arith.constant 112 : index
        %get3A_204 = tpu.vector_load %arg18[%get3A_202, %get3A_203] {strides = array<i32>} : memref<128x128xf32, #tpu.memory_space<vmem>>, vector<16xf32>,
        %mul3A_205 = arith.mulf %get3A_204, %gather3A : vector<16xf32>
        %swap3A_206 = arith.index_cast %scan3A_151 : i32 to index
        %swap3A_207 = arith.constant 112 : index
        %swap3A_208 = tpu.vector_load %arg18[%swap3A_206, %swap3A_207] {strides = array<i32>} : memref<128x128xf32, #tpu.memory_space<vmem>>, vector<16xf32>,
        tpu.vector_store %arg18[%swap3A_206, %swap3A_207], %mul3A_205 {strides = array<i32>} : memref<128x128xf32, #tpu.memory_space<vmem>>, vector<16xf32>,
        %scan3A_209 = arith.constant 1 : i32
        %scan3A_210 = arith.addi %scan3A_151, %scan3A_209 : i32
        %broadcast_in_dim3A_211 = arith.constant 0 : i32
        %broadcast_in_dim3A_212 = vector.broadcast %broadcast_in_dim3A_211 : i32 to vector<16xi32>
        %add3A_213 = vector.broadcast %scan3A_210 : i32 to vector<16xi32>
        %add3A_214 = arith.addi %broadcast_in_dim3A_212, %add3A_213 : vector<16xi32>
        %gather3A_215 = tpu.vector_load_idx %arg15[%add3A_214] : memref<128xf32, #tpu.memory_space<vmem>>[vector<16xi32>], vector<16xf32>,
        %get3A_216 = arith.index_cast %scan3A_210 : i32 to index
        %get3A_217 = arith.constant 0 : index
        %get3A_218 = tpu.vector_load %arg18[%get3A_216, %get3A_217] {strides = array<i32>} : memref<128x128xf32, #tpu.memory_space<vmem>>, vector<16xf32>,
        %mul3A_219 = arith.mulf %get3A_218, %gather3A_215 : vector<16xf32>
        %swap3A_220 = arith.index_cast %scan3A_210 : i32 to index
        %swap3A_221 = arith.constant 0 : index
        %swap3A_222 = tpu.vector_load %arg18[%swap3A_220, %swap3A_221] {strides = array<i32>} : memref<128x128xf32, #tpu.memory_space<vmem>>, vector<16xf32>,
        tpu.vector_store %arg18[%swap3A_220, %swap3A_221], %mul3A_219 {strides = array<i32>} : memref<128x128xf32, #tpu.memory_space<vmem>>, vector<16xf32>,
        %get3A_223 = arith.index_cast %scan3A_210 : i32 to index
        %get3A_224 = arith.constant 16 : index
        %get3A_225 = tpu.vector_load %arg18[%get3A_223, %get3A_224] {strides = array<i32>} : memref<128x128xf32, #tpu.memory_space<vmem>>, vector<16xf32>,
        %mul3A_226 = arith.mulf %get3A_225, %gather3A_215 : vector<16xf32>
        %swap3A_227 = arith.index_cast %scan3A_210 : i32 to index
        %swap3A_228 = arith.constant 16 : index
        %swap3A_229 = tpu.vector_load %arg18[%swap3A_227, %swap3A_228] {strides = array<i32>} : memref<128x128xf32, #tpu.memory_space<vmem>>, vector<16xf32>,
        tpu.vector_store %arg18[%swap3A_227, %swap3A_228], %mul3A_226 {strides = array<i32>} : memref<128x128xf32, #tpu.memory_space<vmem>>, vector<16xf32>,
        %get3A_230 = arith.index_cast %scan3A_210 : i32 to index
        %get3A_231 = arith.constant 32 : index
        %get3A_232 = tpu.vector_load %arg18[%get3A_230, %get3A_231] {strides = array<i32>} : memref<128x128xf32, #tpu.memory_space<vmem>>, vector<16xf32>,
        %mul3A_233 = arith.mulf %get3A_232, %gather3A_215 : vector<16xf32>
        %swap3A_234 = arith.index_cast %scan3A_210 : i32 to index
        %swap3A_235 = arith.constant 32 : index
        %swap3A_236 = tpu.vector_load %arg18[%swap3A_234, %swap3A_235] {strides = array<i32>} : memref<128x128xf32, #tpu.memory_space<vmem>>, vector<16xf32>,
        tpu.vector_store %arg18[%swap3A_234, %swap3A_235], %mul3A_233 {strides = array<i32>} : memref<128x128xf32, #tpu.memory_space<vmem>>, vector<16xf32>,
        %get3A_237 = arith.index_cast %scan3A_210 : i32 to index
        %get3A_238 = arith.constant 48 : index
        %get3A_239 = tpu.vector_load %arg18[%get3A_237, %get3A_238] {strides = array<i32>} : memref<128x128xf32, #tpu.memory_space<vmem>>, vector<16xf32>,
        %mul3A_240 = arith.mulf %get3A_239, %gather3A_215 : vector<16xf32>
        %swap3A_241 = arith.index_cast %scan3A_210 : i32 to index
        %swap3A_242 = arith.constant 48 : index
        %swap3A_243 = tpu.vector_load %arg18[%swap3A_241, %swap3A_242] {strides = array<i32>} : memref<128x128xf32, #tpu.memory_space<vmem>>, vector<16xf32>,
        tpu.vector_store %arg18[%swap3A_241, %swap3A_242], %mul3A_240 {strides = array<i32>} : memref<128x128xf32, #tpu.memory_space<vmem>>, vector<16xf32>,
        %get3A_244 = arith.index_cast %scan3A_210 : i32 to index
        %get3A_245 = arith.constant 64 : index
        %get3A_246 = tpu.vector_load %arg18[%get3A_244, %get3A_245] {strides = array<i32>} : memref<128x128xf32, #tpu.memory_space<vmem>>, vector<16xf32>,
        %mul3A_247 = arith.mulf %get3A_246, %gather3A_215 : vector<16xf32>
        %swap3A_248 = arith.index_cast %scan3A_210 : i32 to index
        %swap3A_249 = arith.constant 64 : index
        %swap3A_250 = tpu.vector_load %arg18[%swap3A_248, %swap3A_249] {strides = array<i32>} : memref<128x128xf32, #tpu.memory_space<vmem>>, vector<16xf32>,
        tpu.vector_store %arg18[%swap3A_248, %swap3A_249], %mul3A_247 {strides = array<i32>} : memref<128x128xf32, #tpu.memory_space<vmem>>, vector<16xf32>,
        %get3A_251 = arith.index_cast %scan3A_210 : i32 to index
        %get3A_252 = arith.constant 80 : index
        %get3A_253 = tpu.vector_load %arg18[%get3A_251, %get3A_252] {strides = array<i32>} : memref<128x128xf32, #tpu.memory_space<vmem>>, vector<16xf32>,
        %mul3A_254 = arith.mulf %get3A_253, %gather3A_215 : vector<16xf32>
        %swap3A_255 = arith.index_cast %scan3A_210 : i32 to index
        %swap3A_256 = arith.constant 80 : index
        %swap3A_257 = tpu.vector_load %arg18[%swap3A_255, %swap3A_256] {strides = array<i32>} : memref<128x128xf32, #tpu.memory_space<vmem>>, vector<16xf32>,
        tpu.vector_store %arg18[%swap3A_255, %swap3A_256], %mul3A_254 {strides = array<i32>} : memref<128x128xf32, #tpu.memory_space<vmem>>, vector<16xf32>,
        %get3A_258 = arith.index_cast %scan3A_210 : i32 to index
        %get3A_259 = arith.constant 96 : index
        %get3A_260 = tpu.vector_load %arg18[%get3A_258, %get3A_259] {strides = array<i32>} : memref<128x128xf32, #tpu.memory_space<vmem>>, vector<16xf32>,
        %mul3A_261 = arith.mulf %get3A_260, %gather3A_215 : vector<16xf32>
        %swap3A_262 = arith.index_cast %scan3A_210 : i32 to index
        %swap3A_263 = arith.constant 96 : index
        %swap3A_264 = tpu.vector_load %arg18[%swap3A_262, %swap3A_263] {strides = array<i32>} : memref<128x128xf32, #tpu.memory_space<vmem>>, vector<16xf32>,
        tpu.vector_store %arg18[%swap3A_262, %swap3A_263], %mul3A_261 {strides = array<i32>} : memref<128x128xf32, #tpu.memory_space<vmem>>, vector<16xf32>,
        %get3A_265 = arith.index_cast %scan3A_210 : i32 to index
        %get3A_266 = arith.constant 112 : index
        %get3A_267 = tpu.vector_load %arg18[%get3A_265, %get3A_266] {strides = array<i32>} : memref<128x128xf32, #tpu.memory_space<vmem>>, vector<16xf32>,
        %mul3A_268 = arith.mulf %get3A_267, %gather3A_215 : vector<16xf32>
        %swap3A_269 = arith.index_cast %scan3A_210 : i32 to index
        %swap3A_270 = arith.constant 112 : index
        %swap3A_271 = tpu.vector_load %arg18[%swap3A_269, %swap3A_270] {strides = array<i32>} : memref<128x128xf32, #tpu.memory_space<vmem>>, vector<16xf32>,
        tpu.vector_store %arg18[%swap3A_269, %swap3A_270], %mul3A_268 {strides = array<i32>} : memref<128x128xf32, #tpu.memory_space<vmem>>, vector<16xf32>,
        %scan3A_272 = arith.constant 2 : i32
        %scan3A_273 = arith.addi %scan3A_151, %scan3A_272 : i32
        %broadcast_in_dim3A_274 = arith.constant 0 : i32
        %broadcast_in_dim3A_275 = vector.broadcast %broadcast_in_dim3A_274 : i32 to vector<16xi32>
        %add3A_276 = vector.broadcast %scan3A_273 : i32 to vector<16xi32>
        %add3A_277 = arith.addi %broadcast_in_dim3A_275, %add3A_276 : vector<16xi32>
        %gather3A_278 = tpu.vector_load_idx %arg15[%add3A_277] : memref<128xf32, #tpu.memory_space<vmem>>[vector<16xi32>], vector<16xf32>,
        %get3A_279 = arith.index_cast %scan3A_273 : i32 to index
        %get3A_280 = arith.constant 0 : index
        %get3A_281 = tpu.vector_load %arg18[%get3A_279, %get3A_280] {strides = array<i32>} : memref<128x128xf32, #tpu.memory_space<vmem>>, vector<16xf32>,
        %mul3A_282 = arith.mulf %get3A_281, %gather3A_278 : vector<16xf32>
        %swap3A_283 = arith.index_cast %scan3A_273 : i32 to index
        %swap3A_284 = arith.constant 0 : index
        %swap3A_285 = tpu.vector_load %arg18[%swap3A_283, %swap3A_284] {strides = array<i32>} : memref<128x128xf32, #tpu.memory_space<vmem>>, vector<16xf32>,
        tpu.vector_store %arg18[%swap3A_283, %swap3A_284], %mul3A_282 {strides = array<i32>} : memref<128x128xf32, #tpu.memory_space<vmem>>, vector<16xf32>,
        %get3A_286 = arith.index_cast %scan3A_273 : i32 to index
        %get3A_287 = arith.constant 16 : index
        %get3A_288 = tpu.vector_load %arg18[%get3A_286, %get3A_287] {strides = array<i32>} : memref<128x128xf32, #tpu.memory_space<vmem>>, vector<16xf32>,
        %mul3A_289 = arith.mulf %get3A_288, %gather3A_278 : vector<16xf32>
        %swap3A_290 = arith.index_cast %scan3A_273 : i32 to index
        %swap3A_291 = arith.constant 16 : index
        %swap3A_292 = tpu.vector_load %arg18[%swap3A_290, %swap3A_291] {strides = array<i32>} : memref<128x128xf32, #tpu.memory_space<vmem>>, vector<16xf32>,
        tpu.vector_store %arg18[%swap3A_290, %swap3A_291], %mul3A_289 {strides = array<i32>} : memref<128x128xf32, #tpu.memory_space<vmem>>, vector<16xf32>,
        %get3A_293 = arith.index_cast %scan3A_273 : i32 to index
        %get3A_294 = arith.constant 32 : index
        %get3A_295 = tpu.vector_load %arg18[%get3A_293, %get3A_294] {strides = array<i32>} : memref<128x128xf32, #tpu.memory_space<vmem>>, vector<16xf32>,
        %mul3A_296 = arith.mulf %get3A_295, %gather3A_278 : vector<16xf32>
        %swap3A_297 = arith.index_cast %scan3A_273 : i32 to index
        %swap3A_298 = arith.constant 32 : index
        %swap3A_299 = tpu.vector_load %arg18[%swap3A_297, %swap3A_298] {strides = array<i32>} : memref<128x128xf32, #tpu.memory_space<vmem>>, vector<16xf32>,
        tpu.vector_store %arg18[%swap3A_297, %swap3A_298], %mul3A_296 {strides = array<i32>} : memref<128x128xf32, #tpu.memory_space<vmem>>, vector<16xf32>,
        %get3A_300 = arith.index_cast %scan3A_273 : i32 to index
        %get3A_301 = arith.constant 48 : index
        %get3A_302 = tpu.vector_load %arg18[%get3A_300, %get3A_301] {strides = array<i32>} : memref<128x128xf32, #tpu.memory_space<vmem>>, vector<16xf32>,
        %mul3A_303 = arith.mulf %get3A_302, %gather3A_278 : vector<16xf32>
        %swap3A_304 = arith.index_cast %scan3A_273 : i32 to index
        %swap3A_305 = arith.constant 48 : index
        %swap3A_306 = tpu.vector_load %arg18[%swap3A_304, %swap3A_305] {strides = array<i32>} : memref<128x128xf32, #tpu.memory_space<vmem>>, vector<16xf32>,
        tpu.vector_store %arg18[%swap3A_304, %swap3A_305], %mul3A_303 {strides = array<i32>} : memref<128x128xf32, #tpu.memory_space<vmem>>, vector<16xf32>,
        %get3A_307 = arith.index_cast %scan3A_273 : i32 to index
        %get3A_308 = arith.constant 64 : index
        %get3A_309 = tpu.vector_load %arg18[%get3A_307, %get3A_308] {strides = array<i32>} : memref<128x128xf32, #tpu.memory_space<vmem>>, vector<16xf32>,
        %mul3A_310 = arith.mulf %get3A_309, %gather3A_278 : vector<16xf32>
        %swap3A_311 = arith.index_cast %scan3A_273 : i32 to index
        %swap3A_312 = arith.constant 64 : index
        %swap3A_313 = tpu.vector_load %arg18[%swap3A_311, %swap3A_312] {strides = array<i32>} : memref<128x128xf32, #tpu.memory_space<vmem>>, vector<16xf32>,
        tpu.vector_store %arg18[%swap3A_311, %swap3A_312], %mul3A_310 {strides = array<i32>} : memref<128x128xf32, #tpu.memory_space<vmem>>, vector<16xf32>,
        %get3A_314 = arith.index_cast %scan3A_273 : i32 to index
        %get3A_315 = arith.constant 80 : index
        %get3A_316 = tpu.vector_load %arg18[%get3A_314, %get3A_315] {strides = array<i32>} : memref<128x128xf32, #tpu.memory_space<vmem>>, vector<16xf32>,
        %mul3A_317 = arith.mulf %get3A_316, %gather3A_278 : vector<16xf32>
        %swap3A_318 = arith.index_cast %scan3A_273 : i32 to index
        %swap3A_319 = arith.constant 80 : index
        %swap3A_320 = tpu.vector_load %arg18[%swap3A_318, %swap3A_319] {strides = array<i32>} : memref<128x128xf32, #tpu.memory_space<vmem>>, vector<16xf32>,
        tpu.vector_store %arg18[%swap3A_318, %swap3A_319], %mul3A_317 {strides = array<i32>} : memref<128x128xf32, #tpu.memory_space<vmem>>, vector<16xf32>,
        %get3A_321 = arith.index_cast %scan3A_273 : i32 to index
        %get3A_322 = arith.constant 96 : index
        %get3A_323 = tpu.vector_load %arg18[%get3A_321, %get3A_322] {strides = array<i32>} : memref<128x128xf32, #tpu.memory_space<vmem>>, vector<16xf32>,
        %mul3A_324 = arith.mulf %get3A_323, %gather3A_278 : vector<16xf32>
        %swap3A_325 = arith.index_cast %scan3A_273 : i32 to index
        %swap3A_326 = arith.constant 96 : index
        %swap3A_327 = tpu.vector_load %arg18[%swap3A_325, %swap3A_326] {strides = array<i32>} : memref<128x128xf32, #tpu.memory_space<vmem>>, vector<16xf32>,
        tpu.vector_store %arg18[%swap3A_325, %swap3A_326], %mul3A_324 {strides = array<i32>} : memref<128x128xf32, #tpu.memory_space<vmem>>, vector<16xf32>,
        %get3A_328 = arith.index_cast %scan3A_273 : i32 to index
        %get3A_329 = arith.constant 112 : index
        %get3A_330 = tpu.vector_load %arg18[%get3A_328, %get3A_329] {strides = array<i32>} : memref<128x128xf32, #tpu.memory_space<vmem>>, vector<16xf32>,
        %mul3A_331 = arith.mulf %get3A_330, %gather3A_278 : vector<16xf32>
        %swap3A_332 = arith.index_cast %scan3A_273 : i32 to index
        %swap3A_333 = arith.constant 112 : index
        %swap3A_334 = tpu.vector_load %arg18[%swap3A_332, %swap3A_333] {strides = array<i32>} : memref<128x128xf32, #tpu.memory_space<vmem>>, vector<16xf32>,
        tpu.vector_store %arg18[%swap3A_332, %swap3A_333], %mul3A_331 {strides = array<i32>} : memref<128x128xf32, #tpu.memory_space<vmem>>, vector<16xf32>,
        %scan3A_335 = arith.constant 3 : i32
        %scan3A_336 = arith.addi %scan3A_151, %scan3A_335 : i32
        %broadcast_in_dim3A_337 = arith.constant 0 : i32
        %broadcast_in_dim3A_338 = vector.broadcast %broadcast_in_dim3A_337 : i32 to vector<16xi32>
        %add3A_339 = vector.broadcast %scan3A_336 : i32 to vector<16xi32>
        %add3A_340 = arith.addi %broadcast_in_dim3A_338, %add3A_339 : vector<16xi32>
        %gather3A_341 = tpu.vector_load_idx %arg15[%add3A_340] : memref<128xf32, #tpu.memory_space<vmem>>[vector<16xi32>], vector<16xf32>,
        %get3A_342 = arith.index_cast %scan3A_336 : i32 to index
        %get3A_343 = arith.constant 0 : index
        %get3A_344 = tpu.vector_load %arg18[%get3A_342, %get3A_343] {strides = array<i32>} : memref<128x128xf32, #tpu.memory_space<vmem>>, vector<16xf32>,
        %mul3A_345 = arith.mulf %get3A_344, %gather3A_341 : vector<16xf32>
        %swap3A_346 = arith.index_cast %scan3A_336 : i32 to index
        %swap3A_347 = arith.constant 0 : index
        %swap3A_348 = tpu.vector_load %arg18[%swap3A_346, %swap3A_347] {strides = array<i32>} : memref<128x128xf32, #tpu.memory_space<vmem>>, vector<16xf32>,
        tpu.vector_store %arg18[%swap3A_346, %swap3A_347], %mul3A_345 {strides = array<i32>} : memref<128x128xf32, #tpu.memory_space<vmem>>, vector<16xf32>,
        %get3A_349 = arith.index_cast %scan3A_336 : i32 to index
        %get3A_350 = arith.constant 16 : index
        %get3A_351 = tpu.vector_load %arg18[%get3A_349, %get3A_350] {strides = array<i32>} : memref<128x128xf32, #tpu.memory_space<vmem>>, vector<16xf32>,
        %mul3A_352 = arith.mulf %get3A_351, %gather3A_341 : vector<16xf32>
        %swap3A_353 = arith.index_cast %scan3A_336 : i32 to index
        %swap3A_354 = arith.constant 16 : index
        %swap3A_355 = tpu.vector_load %arg18[%swap3A_353, %swap3A_354] {strides = array<i32>} : memref<128x128xf32, #tpu.memory_space<vmem>>, vector<16xf32>,
        tpu.vector_store %arg18[%swap3A_353, %swap3A_354], %mul3A_352 {strides = array<i32>} : memref<128x128xf32, #tpu.memory_space<vmem>>, vector<16xf32>,
        %get3A_356 = arith.index_cast %scan3A_336 : i32 to index
        %get3A_357 = arith.constant 32 : index
        %get3A_358 = tpu.vector_load %arg18[%get3A_356, %get3A_357] {strides = array<i32>} : memref<128x128xf32, #tpu.memory_space<vmem>>, vector<16xf32>,
        %mul3A_359 = arith.mulf %get3A_358, %gather3A_341 : vector<16xf32>
        %swap3A_360 = arith.index_cast %scan3A_336 : i32 to index
        %swap3A_361 = arith.constant 32 : index
        %swap3A_362 = tpu.vector_load %arg18[%swap3A_360, %swap3A_361] {strides = array<i32>} : memref<128x128xf32, #tpu.memory_space<vmem>>, vector<16xf32>,
        tpu.vector_store %arg18[%swap3A_360, %swap3A_361], %mul3A_359 {strides = array<i32>} : memref<128x128xf32, #tpu.memory_space<vmem>>, vector<16xf32>,
        %get3A_363 = arith.index_cast %scan3A_336 : i32 to index
        %get3A_364 = arith.constant 48 : index
        %get3A_365 = tpu.vector_load %arg18[%get3A_363, %get3A_364] {strides = array<i32>} : memref<128x128xf32, #tpu.memory_space<vmem>>, vector<16xf32>,
        %mul3A_366 = arith.mulf %get3A_365, %gather3A_341 : vector<16xf32>
        %swap3A_367 = arith.index_cast %scan3A_336 : i32 to index
        %swap3A_368 = arith.constant 48 : index
        %swap3A_369 = tpu.vector_load %arg18[%swap3A_367, %swap3A_368] {strides = array<i32>} : memref<128x128xf32, #tpu.memory_space<vmem>>, vector<16xf32>,
        tpu.vector_store %arg18[%swap3A_367, %swap3A_368], %mul3A_366 {strides = array<i32>} : memref<128x128xf32, #tpu.memory_space<vmem>>, vector<16xf32>,
        %get3A_370 = arith.index_cast %scan3A_336 : i32 to index
        %get3A_371 = arith.constant 64 : index
        %get3A_372 = tpu.vector_load %arg18[%get3A_370, %get3A_371] {strides = array<i32>} : memref<128x128xf32, #tpu.memory_space<vmem>>, vector<16xf32>,
        %mul3A_373 = arith.mulf %get3A_372, %gather3A_341 : vector<16xf32>
        %swap3A_374 = arith.index_cast %scan3A_336 : i32 to index
        %swap3A_375 = arith.constant 64 : index
        %swap3A_376 = tpu.vector_load %arg18[%swap3A_374, %swap3A_375] {strides = array<i32>} : memref<128x128xf32, #tpu.memory_space<vmem>>, vector<16xf32>,
        tpu.vector_store %arg18[%swap3A_374, %swap3A_375], %mul3A_373 {strides = array<i32>} : memref<128x128xf32, #tpu.memory_space<vmem>>, vector<16xf32>,
        %get3A_377 = arith.index_cast %scan3A_336 : i32 to index
        %get3A_378 = arith.constant 80 : index
        %get3A_379 = tpu.vector_load %arg18[%get3A_377, %get3A_378] {strides = array<i32>} : memref<128x128xf32, #tpu.memory_space<vmem>>, vector<16xf32>,
        %mul3A_380 = arith.mulf %get3A_379, %gather3A_341 : vector<16xf32>
        %swap3A_381 = arith.index_cast %scan3A_336 : i32 to index
        %swap3A_382 = arith.constant 80 : index
        %swap3A_383 = tpu.vector_load %arg18[%swap3A_381, %swap3A_382] {strides = array<i32>} : memref<128x128xf32, #tpu.memory_space<vmem>>, vector<16xf32>,
        tpu.vector_store %arg18[%swap3A_381, %swap3A_382], %mul3A_380 {strides = array<i32>} : memref<128x128xf32, #tpu.memory_space<vmem>>, vector<16xf32>,
        %get3A_384 = arith.index_cast %scan3A_336 : i32 to index
        %get3A_385 = arith.constant 96 : index
        %get3A_386 = tpu.vector_load %arg18[%get3A_384, %get3A_385] {strides = array<i32>} : memref<128x128xf32, #tpu.memory_space<vmem>>, vector<16xf32>,
        %mul3A_387 = arith.mulf %get3A_386, %gather3A_341 : vector<16xf32>
        %swap3A_388 = arith.index_cast %scan3A_336 : i32 to index
        %swap3A_389 = arith.constant 96 : index
        %swap3A_390 = tpu.vector_load %arg18[%swap3A_388, %swap3A_389] {strides = array<i32>} : memref<128x128xf32, #tpu.memory_space<vmem>>, vector<16xf32>,
        tpu.vector_store %arg18[%swap3A_388, %swap3A_389], %mul3A_387 {strides = array<i32>} : memref<128x128xf32, #tpu.memory_space<vmem>>, vector<16xf32>,
        %get3A_391 = arith.index_cast %scan3A_336 : i32 to index
        %get3A_392 = arith.constant 112 : index
        %get3A_393 = tpu.vector_load %arg18[%get3A_391, %get3A_392] {strides = array<i32>} : memref<128x128xf32, #tpu.memory_space<vmem>>, vector<16xf32>,
        %mul3A_394 = arith.mulf %get3A_393, %gather3A_341 : vector<16xf32>
        %swap3A_395 = arith.index_cast %scan3A_336 : i32 to index
        %swap3A_396 = arith.constant 112 : index
        %swap3A_397 = tpu.vector_load %arg18[%swap3A_395, %swap3A_396] {strides = array<i32>} : memref<128x128xf32, #tpu.memory_space<vmem>>, vector<16xf32>,
        tpu.vector_store %arg18[%swap3A_395, %swap3A_396], %mul3A_394 {strides = array<i32>} : memref<128x128xf32, #tpu.memory_space<vmem>>, vector<16xf32>,
      }
      %scan3A_110 = arith.constant 128 : i32
      %dma_start3A_111 = arith.constant 0 : i32
      %dma_start3A_112 = arith.constant 0 : i32
      %dma_start3A_113 = tpu.memref_slice %arg20[%dma_start3A_111, %dma_start3A_112] : memref<10000x128xf32, #tpu.memory_space<vmem_shared>> -> memref<10000x128xf32, #tpu.memory_space<vmem_shared>>
      tpu.enqueue_indirect_dma source(%arg18 : memref<128x128xf32, #tpu.memory_space<vmem>>) target(%dma_start3A_113 : memref<10000x128xf32, #tpu.memory_space<vmem_shared>>) offsets(%arg12 : memref<128xi32, #tpu.memory_space<vmem>>) semaphore(%arg28 : memref<!tpu.dma_semaphore, #tpu.memory_space<semaphore_mem>>) {add = true}
      %add3A_114 = arith.constant 2 : i32
      %add3A_115 = arith.addi %add3A_94, %add3A_114 : i32
      %lt3A_116 = arith.constant 81 : i32
      %lt3A_117 = arith.cmpi slt, %add3A_115, %lt3A_116 : i32
      %convert_element_type3A_118 = arith.extui %lt3A_117 : i1 to i32
      %cond3A_119 = arith.constant 0 : i32
      %cond3A_120 = arith.cmpi ne, %convert_element_type3A_118, %cond3A_119 : i32
      scf.if %cond3A_120 {
        %add3A_151 = arith.constant 2 : i32
        %add3A_152 = arith.addi %add3A_94, %add3A_151 : i32
        %ge3A = arith.constant 3 : i32
        %ge3A_153 = arith.cmpi sge, %add3A_152, %ge3A : i32
        %convert_element_type3A_154 = arith.extui %ge3A_153 : i1 to i32
        %cond3A_155 = arith.constant 0 : i32
        %cond3A_156 = arith.cmpi ne, %convert_element_type3A_154, %cond3A_155 : i32
        scf.if %cond3A_156 {
          %dma_wait3A_168 = arith.constant 0 : i32
          %dma_wait3A_169 = arith.constant 0 : i32
          %dma_wait3A_170 = tpu.memref_slice %arg20[%dma_wait3A_168, %dma_wait3A_169] : memref<10000x128xf32, #tpu.memory_space<vmem_shared>> -> memref<10000x128xf32, #tpu.memory_space<vmem_shared>>
          tpu.wait_indirect_dma semaphore(%arg27 : memref<!tpu.dma_semaphore, #tpu.memory_space<semaphore_mem>>) src(%arg17 : memref<128x128xf32, #tpu.memory_space<vmem>>) dst(%dma_wait3A_170 : memref<10000x128xf32, #tpu.memory_space<vmem_shared>>)
        } else {
        }
        %add3A_157 = arith.constant 2 : i32
        %add3A_158 = arith.addi %add3A_94, %add3A_157 : i32
        %mul3A_159 = arith.constant 128 : i32
        %mul3A_160 = arith.muli %add3A_158, %mul3A_159 : i32
        %add3A_161 = arith.addi %mul3A_2, %mul3A_160 : i32
        %dma_start3A_162 = tpu.memref_slice %arg3[%add3A_161] : memref<331776xi32, #tpu.memory_space<hbm>> -> memref<128xi32, #tpu.memory_space<hbm>>
        %dma_start3A_163 = tpu.memref_slice %arg3[%add3A_161] : memref<331776xi32, #tpu.memory_space<hbm>> -> memref<128xi32, #tpu.memory_space<hbm>>
        tpu.enqueue_dma source(%dma_start3A_163 : memref<128xi32, #tpu.memory_space<hbm>>) target(%arg8 : memref<128xi32, #tpu.memory_space<vmem>>) target_semaphore(%arg21 : memref<!tpu.dma_semaphore, #tpu.memory_space<semaphore_mem>>)
        %dma_start3A_164 = tpu.memref_slice %arg4[%add3A_161] : memref<331776xi32, #tpu.memory_space<hbm>> -> memref<128xi32, #tpu.memory_space<hbm>>
        %dma_start3A_165 = tpu.memref_slice %arg4[%add3A_161] : memref<331776xi32, #tpu.memory_space<hbm>> -> memref<128xi32, #tpu.memory_space<hbm>>
        tpu.enqueue_dma source(%dma_start3A_165 : memref<128xi32, #tpu.memory_space<hbm>>) target(%arg11 : memref<128xi32, #tpu.memory_space<vmem>>) target_semaphore(%arg21 : memref<!tpu.dma_semaphore, #tpu.memory_space<semaphore_mem>>)
        %dma_start3A_166 = tpu.memref_slice %arg5[%add3A_161] : memref<331776xf32, #tpu.memory_space<hbm>> -> memref<128xf32, #tpu.memory_space<hbm>>
        %dma_start3A_167 = tpu.memref_slice %arg5[%add3A_161] : memref<331776xf32, #tpu.memory_space<hbm>> -> memref<128xf32, #tpu.memory_space<hbm>>
        tpu.enqueue_dma source(%dma_start3A_167 : memref<128xf32, #tpu.memory_space<hbm>>) target(%arg14 : memref<128xf32, #tpu.memory_space<vmem>>) target_semaphore(%arg21 : memref<!tpu.dma_semaphore, #tpu.memory_space<semaphore_mem>>)
      } else {
      }
      %mul3A_121 = arith.constant 3 : i32
      %mul3A_122 = arith.muli %scan3A_61, %mul3A_121 : i32
      %add3A_123 = arith.constant 2 : i32
      %add3A_124 = arith.addi %mul3A_122, %add3A_123 : i32
      %add3A_125 = arith.constant 1 : i32
      %add3A_126 = arith.addi %add3A_124, %add3A_125 : i32
      %lt3A_127 = arith.constant 81 : i32
      %lt3A_128 = arith.cmpi slt, %add3A_126, %lt3A_127 : i32
      %convert_element_type3A_129 = arith.extui %lt3A_128 : i1 to i32
      %cond3A_130 = arith.constant 0 : i32
      %cond3A_131 = arith.cmpi ne, %convert_element_type3A_129, %cond3A_130 : i32
      scf.if %cond3A_131 {
        %dma_wait3A_151 = arith.constant 0 : i32
        %dma_wait3A_152 = tpu.memref_slice %arg3[%dma_wait3A_151] : memref<331776xi32, #tpu.memory_space<hbm>> -> memref<128xi32, #tpu.memory_space<hbm>>
        %dma_wait3A_153 = arith.constant 0 : i32
        %dma_wait3A_154 = tpu.memref_slice %arg3[%dma_wait3A_153] : memref<331776xi32, #tpu.memory_space<hbm>> -> memref<128xi32, #tpu.memory_space<hbm>>
        tpu.wait_dma2 semaphore(%arg21 : memref<!tpu.dma_semaphore, #tpu.memory_space<semaphore_mem>>) src(%dma_wait3A_154 : memref<128xi32, #tpu.memory_space<hbm>>) dst(%arg8 : memref<128xi32, #tpu.memory_space<vmem>>)
        %dma_wait3A_155 = arith.constant 0 : i32
        %dma_wait3A_156 = tpu.memref_slice %arg4[%dma_wait3A_155] : memref<331776xi32, #tpu.memory_space<hbm>> -> memref<128xi32, #tpu.memory_space<hbm>>
        %dma_wait3A_157 = arith.constant 0 : i32
        %dma_wait3A_158 = tpu.memref_slice %arg4[%dma_wait3A_157] : memref<331776xi32, #tpu.memory_space<hbm>> -> memref<128xi32, #tpu.memory_space<hbm>>
        tpu.wait_dma2 semaphore(%arg21 : memref<!tpu.dma_semaphore, #tpu.memory_space<semaphore_mem>>) src(%dma_wait3A_158 : memref<128xi32, #tpu.memory_space<hbm>>) dst(%arg11 : memref<128xi32, #tpu.memory_space<vmem>>)
        %dma_wait3A_159 = arith.constant 0 : i32
        %dma_wait3A_160 = tpu.memref_slice %arg5[%dma_wait3A_159] : memref<331776xf32, #tpu.memory_space<hbm>> -> memref<128xf32, #tpu.memory_space<hbm>>
        %dma_wait3A_161 = arith.constant 0 : i32
        %dma_wait3A_162 = tpu.memref_slice %arg5[%dma_wait3A_161] : memref<331776xf32, #tpu.memory_space<hbm>> -> memref<128xf32, #tpu.memory_space<hbm>>
        tpu.wait_dma2 semaphore(%arg21 : memref<!tpu.dma_semaphore, #tpu.memory_space<semaphore_mem>>) src(%dma_wait3A_162 : memref<128xf32, #tpu.memory_space<hbm>>) dst(%arg14 : memref<128xf32, #tpu.memory_space<vmem>>)
        %dma_start3A_163 = arith.constant 0 : i32
        %dma_start3A_164 = arith.constant 0 : i32
        %dma_start3A_165 = tpu.memref_slice %arg2[%dma_start3A_163, %dma_start3A_164] : memref<10000x128xf32, #tpu.memory_space<hbm>> -> memref<10000x128xf32, #tpu.memory_space<hbm>>
        tpu.enqueue_indirect_dma source(%dma_start3A_165 : memref<10000x128xf32, #tpu.memory_space<hbm>>) target(%arg17 : memref<128x128xf32, #tpu.memory_space<vmem>>) offsets(%arg8 : memref<128xi32, #tpu.memory_space<vmem>>) semaphore(%arg24 : memref<!tpu.dma_semaphore, #tpu.memory_space<semaphore_mem>>)
      } else {
      }
      %dma_wait3A_132 = arith.constant 0 : i32
      %dma_wait3A_133 = arith.constant 0 : i32
      %dma_wait3A_134 = tpu.memref_slice %arg2[%dma_wait3A_132, %dma_wait3A_133] : memref<10000x128xf32, #tpu.memory_space<hbm>> -> memref<10000x128xf32, #tpu.memory_space<hbm>>
      tpu.wait_indirect_dma semaphore(%arg26 : memref<!tpu.dma_semaphore, #tpu.memory_space<semaphore_mem>>) src(%dma_wait3A_134 : memref<10000x128xf32, #tpu.memory_space<hbm>>) dst(%arg19 : memref<128x128xf32, #tpu.memory_space<vmem>>)
      %scan3A_135 = arith.constant 0 : i32
      %scan3A_136 = arith.constant 0 : i32
      %scan3A_137 = arith.constant 128 : i32
      %scan3A_138 = arith.addi %scan3A_136, %scan3A_137 : i32
      %scan3A_139 = arith.constant 4 : i32
      scf.for %scan3A_151 = %scan3A_136 to %scan3A_138 step %scan3A_139  : i32 {
        %broadcast_in_dim3A = arith.constant 0 : i32
        %broadcast_in_dim3A_152 = vector.broadcast %broadcast_in_dim3A : i32 to vector<16xi32>
        %add3A_153 = vector.broadcast %scan3A_151 : i32 to vector<16xi32>
        %add3A_154 = arith.addi %broadcast_in_dim3A_152, %add3A_153 : vector<16xi32>
        %gather3A = tpu.vector_load_idx %arg16[%add3A_154] : memref<128xf32, #tpu.memory_space<vmem>>[vector<16xi32>], vector<16xf32>,
        %get3A = arith.index_cast %scan3A_151 : i32 to index
        %get3A_155 = arith.constant 0 : index
        %get3A_156 = tpu.vector_load %arg19[%get3A, %get3A_155] {strides = array<i32>} : memref<128x128xf32, #tpu.memory_space<vmem>>, vector<16xf32>,
        %mul3A_157 = arith.mulf %get3A_156, %gather3A : vector<16xf32>
        %swap3A = arith.index_cast %scan3A_151 : i32 to index
        %swap3A_158 = arith.constant 0 : index
        %swap3A_159 = tpu.vector_load %arg19[%swap3A, %swap3A_158] {strides = array<i32>} : memref<128x128xf32, #tpu.memory_space<vmem>>, vector<16xf32>,
        tpu.vector_store %arg19[%swap3A, %swap3A_158], %mul3A_157 {strides = array<i32>} : memref<128x128xf32, #tpu.memory_space<vmem>>, vector<16xf32>,
        %get3A_160 = arith.index_cast %scan3A_151 : i32 to index
        %get3A_161 = arith.constant 16 : index
        %get3A_162 = tpu.vector_load %arg19[%get3A_160, %get3A_161] {strides = array<i32>} : memref<128x128xf32, #tpu.memory_space<vmem>>, vector<16xf32>,
        %mul3A_163 = arith.mulf %get3A_162, %gather3A : vector<16xf32>
        %swap3A_164 = arith.index_cast %scan3A_151 : i32 to index
        %swap3A_165 = arith.constant 16 : index
        %swap3A_166 = tpu.vector_load %arg19[%swap3A_164, %swap3A_165] {strides = array<i32>} : memref<128x128xf32, #tpu.memory_space<vmem>>, vector<16xf32>,
        tpu.vector_store %arg19[%swap3A_164, %swap3A_165], %mul3A_163 {strides = array<i32>} : memref<128x128xf32, #tpu.memory_space<vmem>>, vector<16xf32>,
        %get3A_167 = arith.index_cast %scan3A_151 : i32 to index
        %get3A_168 = arith.constant 32 : index
        %get3A_169 = tpu.vector_load %arg19[%get3A_167, %get3A_168] {strides = array<i32>} : memref<128x128xf32, #tpu.memory_space<vmem>>, vector<16xf32>,
        %mul3A_170 = arith.mulf %get3A_169, %gather3A : vector<16xf32>
        %swap3A_171 = arith.index_cast %scan3A_151 : i32 to index
        %swap3A_172 = arith.constant 32 : index
        %swap3A_173 = tpu.vector_load %arg19[%swap3A_171, %swap3A_172] {strides = array<i32>} : memref<128x128xf32, #tpu.memory_space<vmem>>, vector<16xf32>,
        tpu.vector_store %arg19[%swap3A_171, %swap3A_172], %mul3A_170 {strides = array<i32>} : memref<128x128xf32, #tpu.memory_space<vmem>>, vector<16xf32>,
        %get3A_174 = arith.index_cast %scan3A_151 : i32 to index
        %get3A_175 = arith.constant 48 : index
        %get3A_176 = tpu.vector_load %arg19[%get3A_174, %get3A_175] {strides = array<i32>} : memref<128x128xf32, #tpu.memory_space<vmem>>, vector<16xf32>,
        %mul3A_177 = arith.mulf %get3A_176, %gather3A : vector<16xf32>
        %swap3A_178 = arith.index_cast %scan3A_151 : i32 to index
        %swap3A_179 = arith.constant 48 : index
        %swap3A_180 = tpu.vector_load %arg19[%swap3A_178, %swap3A_179] {strides = array<i32>} : memref<128x128xf32, #tpu.memory_space<vmem>>, vector<16xf32>,
        tpu.vector_store %arg19[%swap3A_178, %swap3A_179], %mul3A_177 {strides = array<i32>} : memref<128x128xf32, #tpu.memory_space<vmem>>, vector<16xf32>,
        %get3A_181 = arith.index_cast %scan3A_151 : i32 to index
        %get3A_182 = arith.constant 64 : index
        %get3A_183 = tpu.vector_load %arg19[%get3A_181, %get3A_182] {strides = array<i32>} : memref<128x128xf32, #tpu.memory_space<vmem>>, vector<16xf32>,
        %mul3A_184 = arith.mulf %get3A_183, %gather3A : vector<16xf32>
        %swap3A_185 = arith.index_cast %scan3A_151 : i32 to index
        %swap3A_186 = arith.constant 64 : index
        %swap3A_187 = tpu.vector_load %arg19[%swap3A_185, %swap3A_186] {strides = array<i32>} : memref<128x128xf32, #tpu.memory_space<vmem>>, vector<16xf32>,
        tpu.vector_store %arg19[%swap3A_185, %swap3A_186], %mul3A_184 {strides = array<i32>} : memref<128x128xf32, #tpu.memory_space<vmem>>, vector<16xf32>,
        %get3A_188 = arith.index_cast %scan3A_151 : i32 to index
        %get3A_189 = arith.constant 80 : index
        %get3A_190 = tpu.vector_load %arg19[%get3A_188, %get3A_189] {strides = array<i32>} : memref<128x128xf32, #tpu.memory_space<vmem>>, vector<16xf32>,
        %mul3A_191 = arith.mulf %get3A_190, %gather3A : vector<16xf32>
        %swap3A_192 = arith.index_cast %scan3A_151 : i32 to index
        %swap3A_193 = arith.constant 80 : index
        %swap3A_194 = tpu.vector_load %arg19[%swap3A_192, %swap3A_193] {strides = array<i32>} : memref<128x128xf32, #tpu.memory_space<vmem>>, vector<16xf32>,
        tpu.vector_store %arg19[%swap3A_192, %swap3A_193], %mul3A_191 {strides = array<i32>} : memref<128x128xf32, #tpu.memory_space<vmem>>, vector<16xf32>,
        %get3A_195 = arith.index_cast %scan3A_151 : i32 to index
        %get3A_196 = arith.constant 96 : index
        %get3A_197 = tpu.vector_load %arg19[%get3A_195, %get3A_196] {strides = array<i32>} : memref<128x128xf32, #tpu.memory_space<vmem>>, vector<16xf32>,
        %mul3A_198 = arith.mulf %get3A_197, %gather3A : vector<16xf32>
        %swap3A_199 = arith.index_cast %scan3A_151 : i32 to index
        %swap3A_200 = arith.constant 96 : index
        %swap3A_201 = tpu.vector_load %arg19[%swap3A_199, %swap3A_200] {strides = array<i32>} : memref<128x128xf32, #tpu.memory_space<vmem>>, vector<16xf32>,
        tpu.vector_store %arg19[%swap3A_199, %swap3A_200], %mul3A_198 {strides = array<i32>} : memref<128x128xf32, #tpu.memory_space<vmem>>, vector<16xf32>,
        %get3A_202 = arith.index_cast %scan3A_151 : i32 to index
        %get3A_203 = arith.constant 112 : index
        %get3A_204 = tpu.vector_load %arg19[%get3A_202, %get3A_203] {strides = array<i32>} : memref<128x128xf32, #tpu.memory_space<vmem>>, vector<16xf32>,
        %mul3A_205 = arith.mulf %get3A_204, %gather3A : vector<16xf32>
        %swap3A_206 = arith.index_cast %scan3A_151 : i32 to index
        %swap3A_207 = arith.constant 112 : index
        %swap3A_208 = tpu.vector_load %arg19[%swap3A_206, %swap3A_207] {strides = array<i32>} : memref<128x128xf32, #tpu.memory_space<vmem>>, vector<16xf32>,
        tpu.vector_store %arg19[%swap3A_206, %swap3A_207], %mul3A_205 {strides = array<i32>} : memref<128x128xf32, #tpu.memory_space<vmem>>, vector<16xf32>,
        %scan3A_209 = arith.constant 1 : i32
        %scan3A_210 = arith.addi %scan3A_151, %scan3A_209 : i32
        %broadcast_in_dim3A_211 = arith.constant 0 : i32
        %broadcast_in_dim3A_212 = vector.broadcast %broadcast_in_dim3A_211 : i32 to vector<16xi32>
        %add3A_213 = vector.broadcast %scan3A_210 : i32 to vector<16xi32>
        %add3A_214 = arith.addi %broadcast_in_dim3A_212, %add3A_213 : vector<16xi32>
        %gather3A_215 = tpu.vector_load_idx %arg16[%add3A_214] : memref<128xf32, #tpu.memory_space<vmem>>[vector<16xi32>], vector<16xf32>,
        %get3A_216 = arith.index_cast %scan3A_210 : i32 to index
        %get3A_217 = arith.constant 0 : index
        %get3A_218 = tpu.vector_load %arg19[%get3A_216, %get3A_217] {strides = array<i32>} : memref<128x128xf32, #tpu.memory_space<vmem>>, vector<16xf32>,
        %mul3A_219 = arith.mulf %get3A_218, %gather3A_215 : vector<16xf32>
        %swap3A_220 = arith.index_cast %scan3A_210 : i32 to index
        %swap3A_221 = arith.constant 0 : index
        %swap3A_222 = tpu.vector_load %arg19[%swap3A_220, %swap3A_221] {strides = array<i32>} : memref<128x128xf32, #tpu.memory_space<vmem>>, vector<16xf32>,
        tpu.vector_store %arg19[%swap3A_220, %swap3A_221], %mul3A_219 {strides = array<i32>} : memref<128x128xf32, #tpu.memory_space<vmem>>, vector<16xf32>,
        %get3A_223 = arith.index_cast %scan3A_210 : i32 to index
        %get3A_224 = arith.constant 16 : index
        %get3A_225 = tpu.vector_load %arg19[%get3A_223, %get3A_224] {strides = array<i32>} : memref<128x128xf32, #tpu.memory_space<vmem>>, vector<16xf32>,
        %mul3A_226 = arith.mulf %get3A_225, %gather3A_215 : vector<16xf32>
        %swap3A_227 = arith.index_cast %scan3A_210 : i32 to index
        %swap3A_228 = arith.constant 16 : index
        %swap3A_229 = tpu.vector_load %arg19[%swap3A_227, %swap3A_228] {strides = array<i32>} : memref<128x128xf32, #tpu.memory_space<vmem>>, vector<16xf32>,
        tpu.vector_store %arg19[%swap3A_227, %swap3A_228], %mul3A_226 {strides = array<i32>} : memref<128x128xf32, #tpu.memory_space<vmem>>, vector<16xf32>,
        %get3A_230 = arith.index_cast %scan3A_210 : i32 to index
        %get3A_231 = arith.constant 32 : index
        %get3A_232 = tpu.vector_load %arg19[%get3A_230, %get3A_231] {strides = array<i32>} : memref<128x128xf32, #tpu.memory_space<vmem>>, vector<16xf32>,
        %mul3A_233 = arith.mulf %get3A_232, %gather3A_215 : vector<16xf32>
        %swap3A_234 = arith.index_cast %scan3A_210 : i32 to index
        %swap3A_235 = arith.constant 32 : index
        %swap3A_236 = tpu.vector_load %arg19[%swap3A_234, %swap3A_235] {strides = array<i32>} : memref<128x128xf32, #tpu.memory_space<vmem>>, vector<16xf32>,
        tpu.vector_store %arg19[%swap3A_234, %swap3A_235], %mul3A_233 {strides = array<i32>} : memref<128x128xf32, #tpu.memory_space<vmem>>, vector<16xf32>,
        %get3A_237 = arith.index_cast %scan3A_210 : i32 to index
        %get3A_238 = arith.constant 48 : index
        %get3A_239 = tpu.vector_load %arg19[%get3A_237, %get3A_238] {strides = array<i32>} : memref<128x128xf32, #tpu.memory_space<vmem>>, vector<16xf32>,
        %mul3A_240 = arith.mulf %get3A_239, %gather3A_215 : vector<16xf32>
        %swap3A_241 = arith.index_cast %scan3A_210 : i32 to index
        %swap3A_242 = arith.constant 48 : index
        %swap3A_243 = tpu.vector_load %arg19[%swap3A_241, %swap3A_242] {strides = array<i32>} : memref<128x128xf32, #tpu.memory_space<vmem>>, vector<16xf32>,
        tpu.vector_store %arg19[%swap3A_241, %swap3A_242], %mul3A_240 {strides = array<i32>} : memref<128x128xf32, #tpu.memory_space<vmem>>, vector<16xf32>,
        %get3A_244 = arith.index_cast %scan3A_210 : i32 to index
        %get3A_245 = arith.constant 64 : index
        %get3A_246 = tpu.vector_load %arg19[%get3A_244, %get3A_245] {strides = array<i32>} : memref<128x128xf32, #tpu.memory_space<vmem>>, vector<16xf32>,
        %mul3A_247 = arith.mulf %get3A_246, %gather3A_215 : vector<16xf32>
        %swap3A_248 = arith.index_cast %scan3A_210 : i32 to index
        %swap3A_249 = arith.constant 64 : index
        %swap3A_250 = tpu.vector_load %arg19[%swap3A_248, %swap3A_249] {strides = array<i32>} : memref<128x128xf32, #tpu.memory_space<vmem>>, vector<16xf32>,
        tpu.vector_store %arg19[%swap3A_248, %swap3A_249], %mul3A_247 {strides = array<i32>} : memref<128x128xf32, #tpu.memory_space<vmem>>, vector<16xf32>,
        %get3A_251 = arith.index_cast %scan3A_210 : i32 to index
        %get3A_252 = arith.constant 80 : index
        %get3A_253 = tpu.vector_load %arg19[%get3A_251, %get3A_252] {strides = array<i32>} : memref<128x128xf32, #tpu.memory_space<vmem>>, vector<16xf32>,
        %mul3A_254 = arith.mulf %get3A_253, %gather3A_215 : vector<16xf32>
        %swap3A_255 = arith.index_cast %scan3A_210 : i32 to index
        %swap3A_256 = arith.constant 80 : index
        %swap3A_257 = tpu.vector_load %arg19[%swap3A_255, %swap3A_256] {strides = array<i32>} : memref<128x128xf32, #tpu.memory_space<vmem>>, vector<16xf32>,
        tpu.vector_store %arg19[%swap3A_255, %swap3A_256], %mul3A_254 {strides = array<i32>} : memref<128x128xf32, #tpu.memory_space<vmem>>, vector<16xf32>,
        %get3A_258 = arith.index_cast %scan3A_210 : i32 to index
        %get3A_259 = arith.constant 96 : index
        %get3A_260 = tpu.vector_load %arg19[%get3A_258, %get3A_259] {strides = array<i32>} : memref<128x128xf32, #tpu.memory_space<vmem>>, vector<16xf32>,
        %mul3A_261 = arith.mulf %get3A_260, %gather3A_215 : vector<16xf32>
        %swap3A_262 = arith.index_cast %scan3A_210 : i32 to index
        %swap3A_263 = arith.constant 96 : index
        %swap3A_264 = tpu.vector_load %arg19[%swap3A_262, %swap3A_263] {strides = array<i32>} : memref<128x128xf32, #tpu.memory_space<vmem>>, vector<16xf32>,
        tpu.vector_store %arg19[%swap3A_262, %swap3A_263], %mul3A_261 {strides = array<i32>} : memref<128x128xf32, #tpu.memory_space<vmem>>, vector<16xf32>,
        %get3A_265 = arith.index_cast %scan3A_210 : i32 to index
        %get3A_266 = arith.constant 112 : index
        %get3A_267 = tpu.vector_load %arg19[%get3A_265, %get3A_266] {strides = array<i32>} : memref<128x128xf32, #tpu.memory_space<vmem>>, vector<16xf32>,
        %mul3A_268 = arith.mulf %get3A_267, %gather3A_215 : vector<16xf32>
        %swap3A_269 = arith.index_cast %scan3A_210 : i32 to index
        %swap3A_270 = arith.constant 112 : index
        %swap3A_271 = tpu.vector_load %arg19[%swap3A_269, %swap3A_270] {strides = array<i32>} : memref<128x128xf32, #tpu.memory_space<vmem>>, vector<16xf32>,
        tpu.vector_store %arg19[%swap3A_269, %swap3A_270], %mul3A_268 {strides = array<i32>} : memref<128x128xf32, #tpu.memory_space<vmem>>, vector<16xf32>,
        %scan3A_272 = arith.constant 2 : i32
        %scan3A_273 = arith.addi %scan3A_151, %scan3A_272 : i32
        %broadcast_in_dim3A_274 = arith.constant 0 : i32
        %broadcast_in_dim3A_275 = vector.broadcast %broadcast_in_dim3A_274 : i32 to vector<16xi32>
        %add3A_276 = vector.broadcast %scan3A_273 : i32 to vector<16xi32>
        %add3A_277 = arith.addi %broadcast_in_dim3A_275, %add3A_276 : vector<16xi32>
        %gather3A_278 = tpu.vector_load_idx %arg16[%add3A_277] : memref<128xf32, #tpu.memory_space<vmem>>[vector<16xi32>], vector<16xf32>,
        %get3A_279 = arith.index_cast %scan3A_273 : i32 to index
        %get3A_280 = arith.constant 0 : index
        %get3A_281 = tpu.vector_load %arg19[%get3A_279, %get3A_280] {strides = array<i32>} : memref<128x128xf32, #tpu.memory_space<vmem>>, vector<16xf32>,
        %mul3A_282 = arith.mulf %get3A_281, %gather3A_278 : vector<16xf32>
        %swap3A_283 = arith.index_cast %scan3A_273 : i32 to index
        %swap3A_284 = arith.constant 0 : index
        %swap3A_285 = tpu.vector_load %arg19[%swap3A_283, %swap3A_284] {strides = array<i32>} : memref<128x128xf32, #tpu.memory_space<vmem>>, vector<16xf32>,
        tpu.vector_store %arg19[%swap3A_283, %swap3A_284], %mul3A_282 {strides = array<i32>} : memref<128x128xf32, #tpu.memory_space<vmem>>, vector<16xf32>,
        %get3A_286 = arith.index_cast %scan3A_273 : i32 to index
        %get3A_287 = arith.constant 16 : index
        %get3A_288 = tpu.vector_load %arg19[%get3A_286, %get3A_287] {strides = array<i32>} : memref<128x128xf32, #tpu.memory_space<vmem>>, vector<16xf32>,
        %mul3A_289 = arith.mulf %get3A_288, %gather3A_278 : vector<16xf32>
        %swap3A_290 = arith.index_cast %scan3A_273 : i32 to index
        %swap3A_291 = arith.constant 16 : index
        %swap3A_292 = tpu.vector_load %arg19[%swap3A_290, %swap3A_291] {strides = array<i32>} : memref<128x128xf32, #tpu.memory_space<vmem>>, vector<16xf32>,
        tpu.vector_store %arg19[%swap3A_290, %swap3A_291], %mul3A_289 {strides = array<i32>} : memref<128x128xf32, #tpu.memory_space<vmem>>, vector<16xf32>,
        %get3A_293 = arith.index_cast %scan3A_273 : i32 to index
        %get3A_294 = arith.constant 32 : index
        %get3A_295 = tpu.vector_load %arg19[%get3A_293, %get3A_294] {strides = array<i32>} : memref<128x128xf32, #tpu.memory_space<vmem>>, vector<16xf32>,
        %mul3A_296 = arith.mulf %get3A_295, %gather3A_278 : vector<16xf32>
        %swap3A_297 = arith.index_cast %scan3A_273 : i32 to index
        %swap3A_298 = arith.constant 32 : index
        %swap3A_299 = tpu.vector_load %arg19[%swap3A_297, %swap3A_298] {strides = array<i32>} : memref<128x128xf32, #tpu.memory_space<vmem>>, vector<16xf32>,
        tpu.vector_store %arg19[%swap3A_297, %swap3A_298], %mul3A_296 {strides = array<i32>} : memref<128x128xf32, #tpu.memory_space<vmem>>, vector<16xf32>,
        %get3A_300 = arith.index_cast %scan3A_273 : i32 to index
        %get3A_301 = arith.constant 48 : index
        %get3A_302 = tpu.vector_load %arg19[%get3A_300, %get3A_301] {strides = array<i32>} : memref<128x128xf32, #tpu.memory_space<vmem>>, vector<16xf32>,
        %mul3A_303 = arith.mulf %get3A_302, %gather3A_278 : vector<16xf32>
        %swap3A_304 = arith.index_cast %scan3A_273 : i32 to index
        %swap3A_305 = arith.constant 48 : index
        %swap3A_306 = tpu.vector_load %arg19[%swap3A_304, %swap3A_305] {strides = array<i32>} : memref<128x128xf32, #tpu.memory_space<vmem>>, vector<16xf32>,
        tpu.vector_store %arg19[%swap3A_304, %swap3A_305], %mul3A_303 {strides = array<i32>} : memref<128x128xf32, #tpu.memory_space<vmem>>, vector<16xf32>,
        %get3A_307 = arith.index_cast %scan3A_273 : i32 to index
        %get3A_308 = arith.constant 64 : index
        %get3A_309 = tpu.vector_load %arg19[%get3A_307, %get3A_308] {strides = array<i32>} : memref<128x128xf32, #tpu.memory_space<vmem>>, vector<16xf32>,
        %mul3A_310 = arith.mulf %get3A_309, %gather3A_278 : vector<16xf32>
        %swap3A_311 = arith.index_cast %scan3A_273 : i32 to index
        %swap3A_312 = arith.constant 64 : index
        %swap3A_313 = tpu.vector_load %arg19[%swap3A_311, %swap3A_312] {strides = array<i32>} : memref<128x128xf32, #tpu.memory_space<vmem>>, vector<16xf32>,
        tpu.vector_store %arg19[%swap3A_311, %swap3A_312], %mul3A_310 {strides = array<i32>} : memref<128x128xf32, #tpu.memory_space<vmem>>, vector<16xf32>,
        %get3A_314 = arith.index_cast %scan3A_273 : i32 to index
        %get3A_315 = arith.constant 80 : index
        %get3A_316 = tpu.vector_load %arg19[%get3A_314, %get3A_315] {strides = array<i32>} : memref<128x128xf32, #tpu.memory_space<vmem>>, vector<16xf32>,
        %mul3A_317 = arith.mulf %get3A_316, %gather3A_278 : vector<16xf32>
        %swap3A_318 = arith.index_cast %scan3A_273 : i32 to index
        %swap3A_319 = arith.constant 80 : index
        %swap3A_320 = tpu.vector_load %arg19[%swap3A_318, %swap3A_319] {strides = array<i32>} : memref<128x128xf32, #tpu.memory_space<vmem>>, vector<16xf32>,
        tpu.vector_store %arg19[%swap3A_318, %swap3A_319], %mul3A_317 {strides = array<i32>} : memref<128x128xf32, #tpu.memory_space<vmem>>, vector<16xf32>,
        %get3A_321 = arith.index_cast %scan3A_273 : i32 to index
        %get3A_322 = arith.constant 96 : index
        %get3A_323 = tpu.vector_load %arg19[%get3A_321, %get3A_322] {strides = array<i32>} : memref<128x128xf32, #tpu.memory_space<vmem>>, vector<16xf32>,
        %mul3A_324 = arith.mulf %get3A_323, %gather3A_278 : vector<16xf32>
        %swap3A_325 = arith.index_cast %scan3A_273 : i32 to index
        %swap3A_326 = arith.constant 96 : index
        %swap3A_327 = tpu.vector_load %arg19[%swap3A_325, %swap3A_326] {strides = array<i32>} : memref<128x128xf32, #tpu.memory_space<vmem>>, vector<16xf32>,
        tpu.vector_store %arg19[%swap3A_325, %swap3A_326], %mul3A_324 {strides = array<i32>} : memref<128x128xf32, #tpu.memory_space<vmem>>, vector<16xf32>,
        %get3A_328 = arith.index_cast %scan3A_273 : i32 to index
        %get3A_329 = arith.constant 112 : index
        %get3A_330 = tpu.vector_load %arg19[%get3A_328, %get3A_329] {strides = array<i32>} : memref<128x128xf32, #tpu.memory_space<vmem>>, vector<16xf32>,
        %mul3A_331 = arith.mulf %get3A_330, %gather3A_278 : vector<16xf32>
        %swap3A_332 = arith.index_cast %scan3A_273 : i32 to index
        %swap3A_333 = arith.constant 112 : index
        %swap3A_334 = tpu.vector_load %arg19[%swap3A_332, %swap3A_333] {strides = array<i32>} : memref<128x128xf32, #tpu.memory_space<vmem>>, vector<16xf32>,
        tpu.vector_store %arg19[%swap3A_332, %swap3A_333], %mul3A_331 {strides = array<i32>} : memref<128x128xf32, #tpu.memory_space<vmem>>, vector<16xf32>,
        %scan3A_335 = arith.constant 3 : i32
        %scan3A_336 = arith.addi %scan3A_151, %scan3A_335 : i32
        %broadcast_in_dim3A_337 = arith.constant 0 : i32
        %broadcast_in_dim3A_338 = vector.broadcast %broadcast_in_dim3A_337 : i32 to vector<16xi32>
        %add3A_339 = vector.broadcast %scan3A_336 : i32 to vector<16xi32>
        %add3A_340 = arith.addi %broadcast_in_dim3A_338, %add3A_339 : vector<16xi32>
        %gather3A_341 = tpu.vector_load_idx %arg16[%add3A_340] : memref<128xf32, #tpu.memory_space<vmem>>[vector<16xi32>], vector<16xf32>,
        %get3A_342 = arith.index_cast %scan3A_336 : i32 to index
        %get3A_343 = arith.constant 0 : index
        %get3A_344 = tpu.vector_load %arg19[%get3A_342, %get3A_343] {strides = array<i32>} : memref<128x128xf32, #tpu.memory_space<vmem>>, vector<16xf32>,
        %mul3A_345 = arith.mulf %get3A_344, %gather3A_341 : vector<16xf32>
        %swap3A_346 = arith.index_cast %scan3A_336 : i32 to index
        %swap3A_347 = arith.constant 0 : index
        %swap3A_348 = tpu.vector_load %arg19[%swap3A_346, %swap3A_347] {strides = array<i32>} : memref<128x128xf32, #tpu.memory_space<vmem>>, vector<16xf32>,
        tpu.vector_store %arg19[%swap3A_346, %swap3A_347], %mul3A_345 {strides = array<i32>} : memref<128x128xf32, #tpu.memory_space<vmem>>, vector<16xf32>,
        %get3A_349 = arith.index_cast %scan3A_336 : i32 to index
        %get3A_350 = arith.constant 16 : index
        %get3A_351 = tpu.vector_load %arg19[%get3A_349, %get3A_350] {strides = array<i32>} : memref<128x128xf32, #tpu.memory_space<vmem>>, vector<16xf32>,
        %mul3A_352 = arith.mulf %get3A_351, %gather3A_341 : vector<16xf32>
        %swap3A_353 = arith.index_cast %scan3A_336 : i32 to index
        %swap3A_354 = arith.constant 16 : index
        %swap3A_355 = tpu.vector_load %arg19[%swap3A_353, %swap3A_354] {strides = array<i32>} : memref<128x128xf32, #tpu.memory_space<vmem>>, vector<16xf32>,
        tpu.vector_store %arg19[%swap3A_353, %swap3A_354], %mul3A_352 {strides = array<i32>} : memref<128x128xf32, #tpu.memory_space<vmem>>, vector<16xf32>,
        %get3A_356 = arith.index_cast %scan3A_336 : i32 to index
        %get3A_357 = arith.constant 32 : index
        %get3A_358 = tpu.vector_load %arg19[%get3A_356, %get3A_357] {strides = array<i32>} : memref<128x128xf32, #tpu.memory_space<vmem>>, vector<16xf32>,
        %mul3A_359 = arith.mulf %get3A_358, %gather3A_341 : vector<16xf32>
        %swap3A_360 = arith.index_cast %scan3A_336 : i32 to index
        %swap3A_361 = arith.constant 32 : index
        %swap3A_362 = tpu.vector_load %arg19[%swap3A_360, %swap3A_361] {strides = array<i32>} : memref<128x128xf32, #tpu.memory_space<vmem>>, vector<16xf32>,
        tpu.vector_store %arg19[%swap3A_360, %swap3A_361], %mul3A_359 {strides = array<i32>} : memref<128x128xf32, #tpu.memory_space<vmem>>, vector<16xf32>,
        %get3A_363 = arith.index_cast %scan3A_336 : i32 to index
        %get3A_364 = arith.constant 48 : index
        %get3A_365 = tpu.vector_load %arg19[%get3A_363, %get3A_364] {strides = array<i32>} : memref<128x128xf32, #tpu.memory_space<vmem>>, vector<16xf32>,
        %mul3A_366 = arith.mulf %get3A_365, %gather3A_341 : vector<16xf32>
        %swap3A_367 = arith.index_cast %scan3A_336 : i32 to index
        %swap3A_368 = arith.constant 48 : index
        %swap3A_369 = tpu.vector_load %arg19[%swap3A_367, %swap3A_368] {strides = array<i32>} : memref<128x128xf32, #tpu.memory_space<vmem>>, vector<16xf32>,
        tpu.vector_store %arg19[%swap3A_367, %swap3A_368], %mul3A_366 {strides = array<i32>} : memref<128x128xf32, #tpu.memory_space<vmem>>, vector<16xf32>,
        %get3A_370 = arith.index_cast %scan3A_336 : i32 to index
        %get3A_371 = arith.constant 64 : index
        %get3A_372 = tpu.vector_load %arg19[%get3A_370, %get3A_371] {strides = array<i32>} : memref<128x128xf32, #tpu.memory_space<vmem>>, vector<16xf32>,
        %mul3A_373 = arith.mulf %get3A_372, %gather3A_341 : vector<16xf32>
        %swap3A_374 = arith.index_cast %scan3A_336 : i32 to index
        %swap3A_375 = arith.constant 64 : index
        %swap3A_376 = tpu.vector_load %arg19[%swap3A_374, %swap3A_375] {strides = array<i32>} : memref<128x128xf32, #tpu.memory_space<vmem>>, vector<16xf32>,
        tpu.vector_store %arg19[%swap3A_374, %swap3A_375], %mul3A_373 {strides = array<i32>} : memref<128x128xf32, #tpu.memory_space<vmem>>, vector<16xf32>,
        %get3A_377 = arith.index_cast %scan3A_336 : i32 to index
        %get3A_378 = arith.constant 80 : index
        %get3A_379 = tpu.vector_load %arg19[%get3A_377, %get3A_378] {strides = array<i32>} : memref<128x128xf32, #tpu.memory_space<vmem>>, vector<16xf32>,
        %mul3A_380 = arith.mulf %get3A_379, %gather3A_341 : vector<16xf32>
        %swap3A_381 = arith.index_cast %scan3A_336 : i32 to index
        %swap3A_382 = arith.constant 80 : index
        %swap3A_383 = tpu.vector_load %arg19[%swap3A_381, %swap3A_382] {strides = array<i32>} : memref<128x128xf32, #tpu.memory_space<vmem>>, vector<16xf32>,
        tpu.vector_store %arg19[%swap3A_381, %swap3A_382], %mul3A_380 {strides = array<i32>} : memref<128x128xf32, #tpu.memory_space<vmem>>, vector<16xf32>,
        %get3A_384 = arith.index_cast %scan3A_336 : i32 to index
        %get3A_385 = arith.constant 96 : index
        %get3A_386 = tpu.vector_load %arg19[%get3A_384, %get3A_385] {strides = array<i32>} : memref<128x128xf32, #tpu.memory_space<vmem>>, vector<16xf32>,
        %mul3A_387 = arith.mulf %get3A_386, %gather3A_341 : vector<16xf32>
        %swap3A_388 = arith.index_cast %scan3A_336 : i32 to index
        %swap3A_389 = arith.constant 96 : index
        %swap3A_390 = tpu.vector_load %arg19[%swap3A_388, %swap3A_389] {strides = array<i32>} : memref<128x128xf32, #tpu.memory_space<vmem>>, vector<16xf32>,
        tpu.vector_store %arg19[%swap3A_388, %swap3A_389], %mul3A_387 {strides = array<i32>} : memref<128x128xf32, #tpu.memory_space<vmem>>, vector<16xf32>,
        %get3A_391 = arith.index_cast %scan3A_336 : i32 to index
        %get3A_392 = arith.constant 112 : index
        %get3A_393 = tpu.vector_load %arg19[%get3A_391, %get3A_392] {strides = array<i32>} : memref<128x128xf32, #tpu.memory_space<vmem>>, vector<16xf32>,
        %mul3A_394 = arith.mulf %get3A_393, %gather3A_341 : vector<16xf32>
        %swap3A_395 = arith.index_cast %scan3A_336 : i32 to index
        %swap3A_396 = arith.constant 112 : index
        %swap3A_397 = tpu.vector_load %arg19[%swap3A_395, %swap3A_396] {strides = array<i32>} : memref<128x128xf32, #tpu.memory_space<vmem>>, vector<16xf32>,
        tpu.vector_store %arg19[%swap3A_395, %swap3A_396], %mul3A_394 {strides = array<i32>} : memref<128x128xf32, #tpu.memory_space<vmem>>, vector<16xf32>,
      }
      %scan3A_140 = arith.constant 128 : i32
      %dma_start3A_141 = arith.constant 0 : i32
      %dma_start3A_142 = arith.constant 0 : i32
      %dma_start3A_143 = tpu.memref_slice %arg20[%dma_start3A_141, %dma_start3A_142] : memref<10000x128xf32, #tpu.memory_space<vmem_shared>> -> memref<10000x128xf32, #tpu.memory_space<vmem_shared>>
      tpu.enqueue_indirect_dma source(%arg19 : memref<128x128xf32, #tpu.memory_space<vmem>>) target(%dma_start3A_143 : memref<10000x128xf32, #tpu.memory_space<vmem_shared>>) offsets(%arg13 : memref<128xi32, #tpu.memory_space<vmem>>) semaphore(%arg29 : memref<!tpu.dma_semaphore, #tpu.memory_space<semaphore_mem>>) {add = true}
      %add3A_144 = arith.constant 2 : i32
      %add3A_145 = arith.addi %add3A_124, %add3A_144 : i32
      %lt3A_146 = arith.constant 81 : i32
      %lt3A_147 = arith.cmpi slt, %add3A_145, %lt3A_146 : i32
      %convert_element_type3A_148 = arith.extui %lt3A_147 : i1 to i32
      %cond3A_149 = arith.constant 0 : i32
      %cond3A_150 = arith.cmpi ne, %convert_element_type3A_148, %cond3A_149 : i32
      scf.if %cond3A_150 {
        %add3A_151 = arith.constant 2 : i32
        %add3A_152 = arith.addi %add3A_124, %add3A_151 : i32
        %ge3A = arith.constant 3 : i32
        %ge3A_153 = arith.cmpi sge, %add3A_152, %ge3A : i32
        %convert_element_type3A_154 = arith.extui %ge3A_153 : i1 to i32
        %cond3A_155 = arith.constant 0 : i32
        %cond3A_156 = arith.cmpi ne, %convert_element_type3A_154, %cond3A_155 : i32
        scf.if %cond3A_156 {
          %dma_wait3A_168 = arith.constant 0 : i32
          %dma_wait3A_169 = arith.constant 0 : i32
          %dma_wait3A_170 = tpu.memref_slice %arg20[%dma_wait3A_168, %dma_wait3A_169] : memref<10000x128xf32, #tpu.memory_space<vmem_shared>> -> memref<10000x128xf32, #tpu.memory_space<vmem_shared>>
          tpu.wait_indirect_dma semaphore(%arg28 : memref<!tpu.dma_semaphore, #tpu.memory_space<semaphore_mem>>) src(%arg18 : memref<128x128xf32, #tpu.memory_space<vmem>>) dst(%dma_wait3A_170 : memref<10000x128xf32, #tpu.memory_space<vmem_shared>>)
        } else {
        }
        %add3A_157 = arith.constant 2 : i32
        %add3A_158 = arith.addi %add3A_124, %add3A_157 : i32
        %mul3A_159 = arith.constant 128 : i32
        %mul3A_160 = arith.muli %add3A_158, %mul3A_159 : i32
        %add3A_161 = arith.addi %mul3A_2, %mul3A_160 : i32
        %dma_start3A_162 = tpu.memref_slice %arg3[%add3A_161] : memref<331776xi32, #tpu.memory_space<hbm>> -> memref<128xi32, #tpu.memory_space<hbm>>
        %dma_start3A_163 = tpu.memref_slice %arg3[%add3A_161] : memref<331776xi32, #tpu.memory_space<hbm>> -> memref<128xi32, #tpu.memory_space<hbm>>
        tpu.enqueue_dma source(%dma_start3A_163 : memref<128xi32, #tpu.memory_space<hbm>>) target(%arg9 : memref<128xi32, #tpu.memory_space<vmem>>) target_semaphore(%arg22 : memref<!tpu.dma_semaphore, #tpu.memory_space<semaphore_mem>>)
        %dma_start3A_164 = tpu.memref_slice %arg4[%add3A_161] : memref<331776xi32, #tpu.memory_space<hbm>> -> memref<128xi32, #tpu.memory_space<hbm>>
        %dma_start3A_165 = tpu.memref_slice %arg4[%add3A_161] : memref<331776xi32, #tpu.memory_space<hbm>> -> memref<128xi32, #tpu.memory_space<hbm>>
        tpu.enqueue_dma source(%dma_start3A_165 : memref<128xi32, #tpu.memory_space<hbm>>) target(%arg12 : memref<128xi32, #tpu.memory_space<vmem>>) target_semaphore(%arg22 : memref<!tpu.dma_semaphore, #tpu.memory_space<semaphore_mem>>)
        %dma_start3A_166 = tpu.memref_slice %arg5[%add3A_161] : memref<331776xf32, #tpu.memory_space<hbm>> -> memref<128xf32, #tpu.memory_space<hbm>>
        %dma_start3A_167 = tpu.memref_slice %arg5[%add3A_161] : memref<331776xf32, #tpu.memory_space<hbm>> -> memref<128xf32, #tpu.memory_space<hbm>>
        tpu.enqueue_dma source(%dma_start3A_167 : memref<128xf32, #tpu.memory_space<hbm>>) target(%arg15 : memref<128xf32, #tpu.memory_space<vmem>>) target_semaphore(%arg22 : memref<!tpu.dma_semaphore, #tpu.memory_space<semaphore_mem>>)
      } else {
      }
    }
    %scan3A_42 = arith.constant 27 : i32
    %dma_wait3A_43 = arith.constant 0 : i32
    %dma_wait3A_44 = arith.constant 0 : i32
    %dma_wait3A_45 = tpu.memref_slice %arg20[%dma_wait3A_43, %dma_wait3A_44] : memref<10000x128xf32, #tpu.memory_space<vmem_shared>> -> memref<10000x128xf32, #tpu.memory_space<vmem_shared>>
    tpu.wait_indirect_dma semaphore(%arg27 : memref<!tpu.dma_semaphore, #tpu.memory_space<semaphore_mem>>) src(%arg17 : memref<128x128xf32, #tpu.memory_space<vmem>>) dst(%dma_wait3A_45 : memref<10000x128xf32, #tpu.memory_space<vmem_shared>>)
    %dma_wait3A_46 = arith.constant 0 : i32
    %dma_wait3A_47 = arith.constant 0 : i32
    %dma_wait3A_48 = tpu.memref_slice %arg20[%dma_wait3A_46, %dma_wait3A_47] : memref<10000x128xf32, #tpu.memory_space<vmem_shared>> -> memref<10000x128xf32, #tpu.memory_space<vmem_shared>>
    tpu.wait_indirect_dma semaphore(%arg28 : memref<!tpu.dma_semaphore, #tpu.memory_space<semaphore_mem>>) src(%arg18 : memref<128x128xf32, #tpu.memory_space<vmem>>) dst(%dma_wait3A_48 : memref<10000x128xf32, #tpu.memory_space<vmem_shared>>)
    %dma_wait3A_49 = arith.constant 0 : i32
    %dma_wait3A_50 = arith.constant 0 : i32
    %dma_wait3A_51 = tpu.memref_slice %arg20[%dma_wait3A_49, %dma_wait3A_50] : memref<10000x128xf32, #tpu.memory_space<vmem_shared>> -> memref<10000x128xf32, #tpu.memory_space<vmem_shared>>
    tpu.wait_indirect_dma semaphore(%arg29 : memref<!tpu.dma_semaphore, #tpu.memory_space<semaphore_mem>>) src(%arg19 : memref<128x128xf32, #tpu.memory_space<vmem>>) dst(%dma_wait3A_51 : memref<10000x128xf32, #tpu.memory_space<vmem_shared>>)
    %barrier3A = arith.constant 0 : index
    tpu.barrier barrier_id(%barrier3A)
    %mul3A_52 = arith.constant 624 : i32
    %mul3A_53 = arith.muli %arg1, %mul3A_52 : i32
    %mul3A_54 = arith.constant 624 : i32
    %mul3A_55 = arith.muli %arg1, %mul3A_54 : i32
    "tpu.region"() ({
      %run_scoped3A = tpu.sem_alloc : memref<!tpu.dma_semaphore, #tpu.memory_space<semaphore_mem>>
      %dma_start3A_61 = arith.constant 0 : i32
      %dma_start3A_62 = tpu.memref_slice %arg7[%arg0, %mul3A_55, %dma_start3A_61] : memref<2x10000x128xf32, #tpu.memory_space<hbm>> -> memref<1x624x128xf32, #tpu.memory_space<hbm>>
      %dma_start3A_63 = tpu.memref_squeeze %dma_start3A_62 : memref<1x624x128xf32, #tpu.memory_space<hbm>> -> memref<624x128xf32, #tpu.memory_space<hbm>>
      %dma_start3A_64 = arith.constant 0 : i32
      %dma_start3A_65 = tpu.memref_slice %arg20[%mul3A_53, %dma_start3A_64] : memref<10000x128xf32, #tpu.memory_space<vmem_shared>> -> memref<624x128xf32, #tpu.memory_space<vmem_shared>>
      tpu.enqueue_dma source(%dma_start3A_65 : memref<624x128xf32, #tpu.memory_space<vmem_shared>>) target(%dma_start3A_63 : memref<624x128xf32, #tpu.memory_space<hbm>>) target_semaphore(%run_scoped3A : memref<!tpu.dma_semaphore, #tpu.memory_space<semaphore_mem>>)
      %dma_wait3A_66 = arith.constant 0 : i32
      %dma_wait3A_67 = tpu.memref_slice %arg7[%arg0, %mul3A_55, %dma_wait3A_66] : memref<2x10000x128xf32, #tpu.memory_space<hbm>> -> memref<1x624x128xf32, #tpu.memory_space<hbm>>
      %dma_wait3A_68 = tpu.memref_squeeze %dma_wait3A_67 : memref<1x624x128xf32, #tpu.memory_space<hbm>> -> memref<624x128xf32, #tpu.memory_space<hbm>>
      %dma_wait3A_69 = arith.constant 0 : i32
      %dma_wait3A_70 = tpu.memref_slice %arg20[%mul3A_53, %dma_wait3A_69] : memref<10000x128xf32, #tpu.memory_space<vmem_shared>> -> memref<624x128xf32, #tpu.memory_space<vmem_shared>>
      tpu.wait_dma2 semaphore(%run_scoped3A : memref<!tpu.dma_semaphore, #tpu.memory_space<semaphore_mem>>) src(%dma_wait3A_70 : memref<624x128xf32, #tpu.memory_space<vmem_shared>>) dst(%dma_wait3A_68 : memref<624x128xf32, #tpu.memory_space<hbm>>)
      tpu.yield
    }) : () -> ()
    %eq3A_56 = arith.constant 0 : i32
    %eq3A_57 = arith.cmpi eq, %arg1, %eq3A_56 : i32
    %convert_element_type3A_58 = arith.extui %eq3A_57 : i1 to i32
    %cond3A_59 = arith.constant 0 : i32
    %cond3A_60 = arith.cmpi ne, %convert_element_type3A_58, %cond3A_59 : i32
    scf.if %cond3A_60 {
      "tpu.region"() ({
        %run_scoped3A = tpu.sem_alloc : memref<!tpu.dma_semaphore, #tpu.memory_space<semaphore_mem>>
        %dma_start3A_61 = arith.constant 9984 : i32
        %dma_start3A_62 = arith.constant 0 : i32
        %dma_start3A_63 = tpu.memref_slice %arg7[%arg0, %dma_start3A_61, %dma_start3A_62] : memref<2x10000x128xf32, #tpu.memory_space<hbm>> -> memref<1x16x128xf32, #tpu.memory_space<hbm>>
        %dma_start3A_64 = tpu.memref_squeeze %dma_start3A_63 : memref<1x16x128xf32, #tpu.memory_space<hbm>> -> memref<16x128xf32, #tpu.memory_space<hbm>>
        %dma_start3A_65 = arith.constant 9984 : i32
        %dma_start3A_66 = arith.constant 0 : i32
        %dma_start3A_67 = tpu.memref_slice %arg20[%dma_start3A_65, %dma_start3A_66] : memref<10000x128xf32, #tpu.memory_space<vmem_shared>> -> memref<16x128xf32, #tpu.memory_space<vmem_shared>>
        tpu.enqueue_dma source(%dma_start3A_67 : memref<16x128xf32, #tpu.memory_space<vmem_shared>>) target(%dma_start3A_64 : memref<16x128xf32, #tpu.memory_space<hbm>>) target_semaphore(%run_scoped3A : memref<!tpu.dma_semaphore, #tpu.memory_space<semaphore_mem>>)
        %dma_wait3A_68 = arith.constant 9984 : i32
        %dma_wait3A_69 = arith.constant 0 : i32
        %dma_wait3A_70 = tpu.memref_slice %arg7[%arg0, %dma_wait3A_68, %dma_wait3A_69] : memref<2x10000x128xf32, #tpu.memory_space<hbm>> -> memref<1x16x128xf32, #tpu.memory_space<hbm>>
        %dma_wait3A_71 = tpu.memref_squeeze %dma_wait3A_70 : memref<1x16x128xf32, #tpu.memory_space<hbm>> -> memref<16x128xf32, #tpu.memory_space<hbm>>
        %dma_wait3A_72 = arith.constant 9984 : i32
        %dma_wait3A_73 = arith.constant 0 : i32
        %dma_wait3A_74 = tpu.memref_slice %arg20[%dma_wait3A_72, %dma_wait3A_73] : memref<10000x128xf32, #tpu.memory_space<vmem_shared>> -> memref<16x128xf32, #tpu.memory_space<vmem_shared>>
        tpu.wait_dma2 semaphore(%run_scoped3A : memref<!tpu.dma_semaphore, #tpu.memory_space<semaphore_mem>>) src(%dma_wait3A_74 : memref<16x128xf32, #tpu.memory_space<vmem_shared>>) dst(%dma_wait3A_71 : memref<16x128xf32, #tpu.memory_space<hbm>>)
        tpu.yield
      }) : () -> ()
    } else {
    }
    return
  }
}

module attributes {stable_mosaic.version = 14 : i64} {
  func.func @_w_body(%arg0: i32, %arg1: memref<16384x4xf32, #tpu.memory_space<vmem>>, %arg2: memref<4x1xf32, #tpu.memory_space<vmem>>, %arg3: memref<128x128xf32, #tpu.memory_space<vmem>>) attributes {dimension_semantics = [#tpu.dimension_semantics<arbitrary>], iteration_bounds = array<i64: 20>, scalar_prefetch = 0 : i64, scratch_operands = 0 : i64, tpu.core_type = #tpu.core_type<tc>, window_params = [{transform_indices = @transform_0, window_bounds = array<i64: 16384, 4>}, {pipeline_mode = #tpu.pipeline_mode<synchronous>, transform_indices = @transform_1, window_bounds = array<i64: 4, 1>}, {transform_indices = @transform_2, window_bounds = array<i64: 128, 128>}]} {
    %get3A = arith.constant 0 : index
    %get3A_0 = arith.constant 0 : index
    %get3A_1 = vector.load %arg1[%get3A, %get3A_0] : memref<16384x4xf32, #tpu.memory_space<vmem>>, vector<16384x4xf32>
    %integer_pow3A = arith.mulf %get3A_1, %get3A_1 : vector<16384x4xf32>
    %neg3A = arith.constant 0.000000e+00 : f32
    %neg3A_2 = vector.broadcast %neg3A : f32 to vector<16384x4xf32>
    %neg3A_3 = arith.subf %neg3A_2, %integer_pow3A : vector<16384x4xf32>
    %exp3A = math.exp %neg3A_3 : vector<16384x4xf32>
    %get3A_4 = arith.constant 0 : index
    %get3A_5 = arith.constant 0 : index
    %get3A_6 = vector.load %arg2[%get3A_4, %get3A_5] : memref<4x1xf32, #tpu.memory_space<vmem>>, vector<4x1xf32>
    %dot_general3A = arith.constant dense<0.000000e+00> : vector<16384x1xf32>
    %dot_general3A_7 = tpu.matmul %exp3A, %get3A_6, %dot_general3A {dimension_numbers = #tpu.dot_dimension_numbers<[1], [0], [0], [1], [0, 0, 1, 1], [], []>, transpose_lhs_hint = false} : vector<16384x4xf32>, vector<4x1xf32>, vector<16384x1xf32> -> vector<16384x1xf32>
    %reshape3A = vector.shape_cast %dot_general3A_7 : vector<16384x1xf32> to vector<128x128xf32>
    %swap3A = arith.constant 0 : index
    %swap3A_8 = arith.constant 0 : index
    %swap3A_9 = vector.load %arg3[%swap3A, %swap3A_8] : memref<128x128xf32, #tpu.memory_space<vmem>>, vector<128x128xf32>
    tpu.vector_store %arg3[%swap3A, %swap3A_8], %reshape3A {strides = array<i32>} : memref<128x128xf32, #tpu.memory_space<vmem>>, vector<128x128xf32>,
    return
  }
  func.func @transform_0(%arg0: i32) -> (i32, i32) {
    %c0_i32 = arith.constant 0 : i32
    %c0_i32_0 = arith.constant 0 : i32
    return %arg0, %c0_i32 : i32, i32
  }
  func.func @transform_1(%arg0: i32) -> (i32, i32) {
    %c0_i32 = arith.constant 0 : i32
    %c0_i32_0 = arith.constant 0 : i32
    %c0_i32_1 = arith.constant 0 : i32
    return %c0_i32, %c0_i32_0 : i32, i32
  }
  func.func @transform_2(%arg0: i32) -> (i32, i32) {
    %c0_i32 = arith.constant 0 : i32
    %c0_i32_0 = arith.constant 0 : i32
    return %arg0, %c0_i32 : i32, i32
  }
}

module attributes {stable_mosaic.version = 14 : i64} {
  func.func @_h_body(%arg0: memref<10000x128xf32, #tpu.memory_space<vmem>>, %arg1: memref<128x128xf32, #tpu.memory_space<vmem>>, %arg2: memref<128xf32, #tpu.memory_space<vmem>>, %arg3: memref<10000x128xf32, #tpu.memory_space<vmem>>) attributes {dimension_semantics = [], scalar_prefetch = 0 : i64, scratch_operands = 0 : i64, tpu.core_type = #tpu.core_type<tc>} {
    %get3A = arith.constant 0 : index
    %get3A_0 = arith.constant 0 : index
    %get3A_1 = vector.load %arg0[%get3A, %get3A_0] : memref<10000x128xf32, #tpu.memory_space<vmem>>, vector<10000x128xf32>
    %get3A_2 = arith.constant 0 : index
    %get3A_3 = arith.constant 0 : index
    %get3A_4 = vector.load %arg1[%get3A_2, %get3A_3] : memref<128x128xf32, #tpu.memory_space<vmem>>, vector<128x128xf32>
    %dot_general3A = arith.constant dense<0.000000e+00> : vector<10000x128xf32>
    %dot_general3A_5 = tpu.matmul %get3A_1, %get3A_4, %dot_general3A {dimension_numbers = #tpu.dot_dimension_numbers<[1], [0], [0], [1], [0, 0, 1, 1], [], []>, transpose_lhs_hint = false} : vector<10000x128xf32>, vector<128x128xf32>, vector<10000x128xf32> -> vector<10000x128xf32>
    %get3A_6 = arith.constant 0 : index
    %get3A_7 = vector.load %arg2[%get3A_6] : memref<128xf32, #tpu.memory_space<vmem>>, vector<128xf32>
    %broadcast_in_dim3A = vector.shape_cast %get3A_7 : vector<128xf32> to vector<1x128xf32>
    %add3A = vector.broadcast %broadcast_in_dim3A : vector<1x128xf32> to vector<10000x128xf32>
    %add3A_8 = arith.addf %dot_general3A_5, %add3A : vector<10000x128xf32>
    %swap3A = arith.constant 0 : index
    %swap3A_9 = arith.constant 0 : index
    %swap3A_10 = vector.load %arg3[%swap3A, %swap3A_9] : memref<10000x128xf32, #tpu.memory_space<vmem>>, vector<10000x128xf32>
    tpu.vector_store %arg3[%swap3A, %swap3A_9], %add3A_8 {strides = array<i32>} : memref<10000x128xf32, #tpu.memory_space<vmem>>, vector<10000x128xf32>,
    return
  }
}

module attributes {stable_mosaic.version = 14 : i64} {
  func.func @_tail_body(%arg0: memref<2x10000x128xf32, #tpu.memory_space<vmem>>, %arg1: memref<10000x128xf32, #tpu.memory_space<vmem>>, %arg2: memref<10000xi32, #tpu.memory_space<vmem>>, %arg3: memref<1x32xf32, #tpu.memory_space<vmem>>, %arg4: memref<160x8xf32, #tpu.memory_space<vmem>>, %arg5: memref<8xf32, #tpu.memory_space<vmem>>, %arg6: memref<64x8xf32, #tpu.memory_space<vmem>>) attributes {dimension_semantics = [], scalar_prefetch = 0 : i64, scratch_operands = 0 : i64, tpu.core_type = #tpu.core_type<tc>} {
    %get3A = arith.constant 0 : index
    %get3A_0 = arith.constant 0 : index
    %get3A_1 = arith.constant 0 : index
    %get3A_2 = vector.load %arg0[%get3A, %get3A_0, %get3A_1] : memref<2x10000x128xf32, #tpu.memory_space<vmem>>, vector<1x10000x128xf32>
    %get3A_3 = vector.shape_cast %get3A_2 : vector<1x10000x128xf32> to vector<10000x128xf32>
    %get3A_4 = arith.constant 1 : index
    %get3A_5 = arith.constant 0 : index
    %get3A_6 = arith.constant 0 : index
    %get3A_7 = vector.load %arg0[%get3A_4, %get3A_5, %get3A_6] : memref<2x10000x128xf32, #tpu.memory_space<vmem>>, vector<1x10000x128xf32>
    %get3A_8 = vector.shape_cast %get3A_7 : vector<1x10000x128xf32> to vector<10000x128xf32>
    %add3A = arith.addf %get3A_3, %get3A_8 : vector<10000x128xf32>
    %get3A_9 = arith.constant 0 : index
    %get3A_10 = arith.constant 0 : index
    %get3A_11 = vector.load %arg1[%get3A_9, %get3A_10] : memref<10000x128xf32, #tpu.memory_space<vmem>>, vector<10000x128xf32>
    %add3A_12 = arith.addf %add3A, %get3A_11 : vector<10000x128xf32>
    %max3A = arith.constant 0.000000e+00 : f32
    %max3A_13 = vector.broadcast %max3A : f32 to vector<10000x128xf32>
    %max3A_14 = arith.maximumf %add3A_12, %max3A_13 : vector<10000x128xf32>
    %iota3A = tpu.iota {dimensions = array<i32: 1>} : vector<10000x64xi32>
    %get3A_15 = arith.constant 0 : index
    %get3A_16 = vector.load %arg2[%get3A_15] : memref<10000xi32, #tpu.memory_space<vmem>>, vector<10000xi32>
    %broadcast_in_dim3A = vector.shape_cast %get3A_16 : vector<10000xi32> to vector<10000x1xi32>
    %eq3A = vector.broadcast %broadcast_in_dim3A : vector<10000x1xi32> to vector<10000x64xi32>
    %eq3A_17 = arith.cmpi eq, %eq3A, %iota3A : vector<10000x64xi32>
    %convert_element_type3A = arith.extui %eq3A_17 : vector<10000x64xi1> to vector<10000x64xi32>
    %convert_element_type3A_18 = arith.sitofp %convert_element_type3A : vector<10000x64xi32> to vector<10000x64xf32>
    %dot_general3A = arith.constant dense<0.000000e+00> : vector<64x128xf32>
    %dot_general3A_19 = tpu.matmul %convert_element_type3A_18, %max3A_14, %dot_general3A {dimension_numbers = #tpu.dot_dimension_numbers<[0], [0], [1], [1], [0, 1, 1, 1], [], []>, transpose_lhs_hint = false} : vector<10000x64xf32>, vector<10000x128xf32>, vector<64x128xf32> -> vector<64x128xf32>
    %get3A_20 = arith.constant 0 : index
    %get3A_21 = arith.constant 0 : index
    %get3A_22 = vector.load %arg4[%get3A_20, %get3A_21] : memref<160x8xf32, #tpu.memory_space<vmem>>, vector<160x8xf32>
    %slice3A = vector.extract_strided_slice %get3A_22 {offsets = [0, 0], sizes = [128, 8], strides = [1, 1]} : vector<160x8xf32> to vector<128x8xf32>
    %dot_general3A_23 = arith.constant dense<0.000000e+00> : vector<64x8xf32>
    %dot_general3A_24 = tpu.matmul %dot_general3A_19, %slice3A, %dot_general3A_23 {dimension_numbers = #tpu.dot_dimension_numbers<[1], [0], [0], [1], [0, 0, 1, 1], [], []>, transpose_lhs_hint = false} : vector<64x128xf32>, vector<128x8xf32>, vector<64x8xf32> -> vector<64x8xf32>
    %get3A_25 = arith.constant 0 : index
    %get3A_26 = arith.constant 0 : index
    %get3A_27 = vector.load %arg3[%get3A_25, %get3A_26] : memref<1x32xf32, #tpu.memory_space<vmem>>, vector<1x32xf32>
    %slice3A_28 = vector.extract_strided_slice %get3A_22 {offsets = [128, 0], sizes = [32, 8], strides = [1, 1]} : vector<160x8xf32> to vector<32x8xf32>
    %dot_general3A_29 = arith.constant dense<0.000000e+00> : vector<1x8xf32>
    %dot_general3A_30 = tpu.matmul %get3A_27, %slice3A_28, %dot_general3A_29 {dimension_numbers = #tpu.dot_dimension_numbers<[1], [0], [0], [1], [0, 0, 1, 1], [], []>, transpose_lhs_hint = false} : vector<1x32xf32>, vector<32x8xf32>, vector<1x8xf32> -> vector<1x8xf32>
    %add3A_31 = vector.broadcast %dot_general3A_30 : vector<1x8xf32> to vector<64x8xf32>
    %add3A_32 = arith.addf %dot_general3A_24, %add3A_31 : vector<64x8xf32>
    %get3A_33 = arith.constant 0 : index
    %get3A_34 = vector.load %arg5[%get3A_33] : memref<8xf32, #tpu.memory_space<vmem>>, vector<8xf32>
    %broadcast_in_dim3A_35 = vector.shape_cast %get3A_34 : vector<8xf32> to vector<1x8xf32>
    %add3A_36 = vector.broadcast %broadcast_in_dim3A_35 : vector<1x8xf32> to vector<64x8xf32>
    %add3A_37 = arith.addf %add3A_32, %add3A_36 : vector<64x8xf32>
    %swap3A = arith.constant 0 : index
    %swap3A_38 = arith.constant 0 : index
    %swap3A_39 = vector.load %arg6[%swap3A, %swap3A_38] : memref<64x8xf32, #tpu.memory_space<vmem>>, vector<64x8xf32>
    tpu.vector_store %arg6[%swap3A, %swap3A_38], %add3A_37 {strides = array<i32>} : memref<64x8xf32, #tpu.memory_space<vmem>>, vector<64x8xf32>,
    return
  }
}

</mosaic_0001>

<sc_bundles>
// kernel: kernel.6.cloned.1.call-start
scs
__scs_entry_jumppad:
0x0: {  	(pc) =	sbr.rel $0x88, $3  }
0x1: {  	(tag) =	ssettag $0x0;
	lr =	simm.s32 $0x1  }
0x2: {  	[smem:$0x3F97] =	sst lr;
	_ =	strace $0xD0000000  }
0x3: {  	_ = 	snop  }
0x4: {  	_ = 	snop  }
0x5: {  	_ = 	snop  }
0x6: {  	_ = 	snop  }
0x7: {  	_ = 	snop  }
__scs_overlays_trampoline_lowered:
0x8: {  	[smem:$0x3FA6] =	sst s0  }
0x9: {  	[smem:$0x3FA7] =	sst s1  }
0xa: {  	[smem:$0x3FA8] =	sst s2  }
0xb: {  	[smem:$0x3FA9] =	sst s3  }
0xc: {  	[smem:$0x3FAA] =	sst s4  }
0xd: {  	[smem:$0x3FAB] =	sst s5  }
0xe: {  	[smem:$0x3FAC] =	sst s6  }
0xf: {  	[smem:$0x3FAD] =	sst s7  }
0x10: {  	[smem:$0x3FAE] =	sst s8  }
0x11: {  	[smem:$0x3FAF] =	sst s9;
	s0 =	simm.s32 @!p0 $0x0  }
0x12: {  	s1 =	sld [smem:$0x3F95];
	s0 =	simm.s32 @p0 $0x1  }
0x13: {  	[smem:$0x3FB0] =	sst s0;
	s0 =	simm.s32 @!p1 $0x0  }
0x14: {  	s2 =	sld [smem:$0x3F94];
	s0 =	simm.s32 @p1 $0x1  }
0x15: {  	[smem:$0x3FB1] =	sst s0;
	s0 =	simm.s32 @!p2 $0x0  }
0x16: {  	s3 =	sld [smem:$0x3FDB];
	s0 =	simm.s32 @p2 $0x1  }
0x17: {  	s4 =	simm.s32 $0x1BF5;
	[smem:$0x3FB3] =	sst s0  }
0x18: {  	s0 =	sld [smem:$0x3F96];
	_ =	swait.ge [sflag:s4], $0x0  }
0x19: {  	s7 =	sld [smem:$0x3F97]  }
0x1a: {  	s8 =	sadd.s32 $0xFFFFE003, lr  }
0x1b: {  	s9 =	sadd.s32 $0xFFFFFEF7, lr;
	s5 =	simm.s32 $0xFFFFFFFF;
	p2 =	slt.u32 s8, $0xFFFFF086  }
0x1c: {  	p1 =	slt.u32 s9, $0xF7A;
	s5 =	simm.s32 @!p2 $0x0  }
0x1d: {  	s5 =	simm.s32 @p1 $0x1;
	p0 =	seq.s32 s7, s2  }
0x1e: {  	s7 =	smul.u32 @!p0 $0xF7A, s2;
	p2 =	seq.s32 @!p0 s5, $0x0  }
0x1f: {  	s9 =	smul.u32 $0xF7A, s1;
	s8 =	simm.s32 @!p0 $0x1BF5;
	p2 =	por !p2, p0  }
0x20: {  	[sflag:s8] =	ssyncset.s32 @!p0 $0xFFFFF086;
	s6 =	sadd.s32 @!p0 s3, s7;
	s7 =	simm.s32 @!p0 $0x108  }
0x21: {  	s3 =	sadd.s32 s3, s9;
	s6 =	sadd.s32 @!p0 $0x88, s6;
	s7 =	simm.s32 @p2 $0x1082  }
0x22: {  	[simem:s7], [sflag:s8] =	dma.local @!p0 [hbm:s6], $0xF7A  }
0x23: {  	s9 =	sor.u32 $0xD0000000, s2;
	s6 =	simm.s32 $0x108;
	_ =	swait.ge @!p0 [sflag:s8], $0x0  }
0x24: {  	s3 =	sadd.s32 $0x88, s3;
	s6 =	simm.s32 @!p1 $0x1082;
	[sflag:s4] =	ssyncset.s32 $0xFFFFF086  }
0x25: {  	[simem:s6], [sflag:s4] =	dma.local [hbm:s3], $0xF7A  }
0x26: {  	[smem:$0x3F97] =	sst s1;
	(tag) =	ssettag s2;
	_ =	strace s9  }
0x27: {  	s1 =	sld [smem:$0x3FA7]  }
0x28: {  	s2 =	sld [smem:$0x3FA8]  }
0x29: {  	s4 =	sld [smem:$0x3FAA]  }
0x2a: {  	p0 =	seq.s32 s5, $0x0;
	s5 =	sld [smem:$0x3FAB]  }
0x2b: {  	s6 =	sld [smem:$0x3FAC]  }
0x2c: {  	s7 =	sld [smem:$0x3FAD]  }
0x2d: {  	s3 =	simm.s32 $0x108;
	s8 =	sld [smem:$0x3FAE]  }
0x2e: {  	s3 =	simm.s32 @!p0 $0x1082;
	s9 =	sld [smem:$0x3FAF]  }
0x2f: {  	lr =	sadd.s32 s0, s3;
	s0 =	sld [smem:$0x3FA6]  }
0x30: {  	s3 =	sld [smem:$0x3FA9]  }
0x31: {  	[smem:$0x3FB2] =	sst s10  }
0x32: {  	s10 =	sld [smem:$0x3FB0];
	_ =	sdelay $0x3  }
0x33: {  	p0 =	seq.s32 s10, $0x1;
	s10 =	sld [smem:$0x3FB2];
	_ =	sdelay $0x3  }
0x34: {  	[smem:$0x3FB2] =	sst s10  }
0x35: {  	s10 =	sld [smem:$0x3FB1];
	_ =	sdelay $0x3  }
0x36: {  	p1 =	seq.s32 s10, $0x1;
	s10 =	sld [smem:$0x3FB2];
	_ =	sdelay $0x3  }
0x37: {  	[smem:$0x3FB2] =	sst s10  }
0x38: {  	s10 =	sld [smem:$0x3FB3]  }
0x39: {  	_ = 	snop;
	(pc) =	sbr.ind lr, $3  }
0x3a: {  	_ = 	snop  }
0x3b: {  	_ = 	snop  }
0x3c: {  	p2 =	seq.s32 s10, $0x1;
	s10 =	sld [smem:$0x3FB2]  }
0x3d: {  	_ =	shalt  }
0x3e: {  	_ =	shalt  }
0x3f: {  	_ =	shalt  }
0x40: {  	_ =	shalt  }
0x41: {  	_ =	shalt  }
0x42: {  	_ =	shalt  }
0x43: {  	_ =	shalt  }
0x44: {  	_ =	shalt  }
0x45: {  	_ =	shalt  }
0x46: {  	_ =	shalt  }
0x47: {  	_ =	shalt  }
0x48: {  	_ =	shalt  }
0x49: {  	_ =	shalt  }
0x4a: {  	_ =	shalt  }
0x4b: {  	_ =	shalt  }
0x4c: {  	_ =	shalt  }
0x4d: {  	_ =	shalt  }
0x4e: {  	_ =	shalt  }
0x4f: {  	_ =	shalt  }
0x50: {  	_ =	shalt  }
0x51: {  	_ =	shalt  }
0x52: {  	_ =	shalt  }
0x53: {  	_ =	shalt  }
0x54: {  	_ =	shalt  }
0x55: {  	_ =	shalt  }
0x56: {  	_ =	shalt  }
0x57: {  	_ =	shalt  }
0x58: {  	_ =	shalt  }
0x59: {  	_ =	shalt  }
0x5a: {  	_ =	shalt  }
0x5b: {  	_ =	shalt  }
0x5c: {  	_ =	shalt  }
0x5d: {  	_ =	shalt  }
0x5e: {  	_ =	shalt  }
0x5f: {  	_ =	shalt  }
0x60: {  	_ =	shalt  }
0x61: {  	_ =	shalt  }
0x62: {  	_ =	shalt  }
0x63: {  	_ =	shalt  }
0x64: {  	_ =	shalt  }
0x65: {  	_ =	shalt  }
0x66: {  	_ =	shalt  }
0x67: {  	_ =	shalt  }
0x68: {  	_ =	shalt  }
0x69: {  	_ =	shalt  }
0x6a: {  	_ =	shalt  }
0x6b: {  	_ =	shalt  }
0x6c: {  	_ =	shalt  }
0x6d: {  	_ =	shalt  }
0x6e: {  	_ =	shalt  }
0x6f: {  	_ =	shalt  }
0x70: {  	_ =	shalt  }
0x71: {  	_ =	shalt  }
0x72: {  	_ =	shalt  }
0x73: {  	_ =	shalt  }
0x74: {  	_ =	shalt  }
0x75: {  	_ =	shalt  }
0x76: {  	_ =	shalt  }
0x77: {  	_ =	shalt  }
0x78: {  	_ =	shalt  }
0x79: {  	_ =	shalt  }
0x7a: {  	_ =	shalt  }
0x7b: {  	_ =	shalt  }
0x7c: {  	_ =	shalt  }
0x7d: {  	_ =	shalt  }
0x7e: {  	_ =	shalt  }
0x7f: {  	_ =	shalt  }
0x80: {  	_ =	shalt  }
0x81: {  	_ =	shalt  }
0x82: {  	_ =	shalt  }
0x83: {  	_ =	shalt  }
0x84: {  	_ =	shalt  }
0x85: {  	_ =	shalt  }
0x86: {  	_ =	shalt  }
0x87: {  	_ =	shalt  }
.Lfunc_end0:
.L_simem_size_0:
called_computation_lowered:
.L_overlay_start_0:
0x88: {  	s2 =	sld [smem:$0x3FD9]  }
0x89: {  	s3 =	sld [smem:$0x3FFE];
	_ =	sdelay $0x1  }
0x8a: {  	s1 =	srdreg.scid  }
0x8b: {  	s0 =	sand.u32 $0x1, s1  }
0x8c: {  	s16 =	sshll.u32 s0, $0xA;
	s2 =	sadd.s32 s3, s2  }
0x8d: {  	s2 =	sadd.s32 s2, s16  }
0x8e: {  	[smem:$0x3FBE] =	sst s2  }
0x8f: {  	_ = 	snop  }
0x90: {  	(tm) =	ssettm $0x1  }
0x91: {  	s17 =	sld [smem:$0x3FFB];
	_ =	sdelay $0x3  }
0x92: {  	_ =	strace s17  }
0x93: {  	s2 =	sld [smem:$0x3FFC];
	_ =	sdelay $0x3  }
0x94: {  	_ =	strace s2  }
0x95: {  	s2 =	sld [smem:$0x3FFD];
	_ =	sdelay $0x3  }
0x96: {  	_ =	strace s2  }
0x97: {  	_ =	strace $0x8FFFFFFF  }
0x98: {  	s18 =	sld [smem:$0x3FDB];
	_ =	sdelay $0x1  }
0x99: {  	s19 =	simm.s32 $_scs_section_size  }
0x9a: {  	s4 =	simm.s32 $_size__tile_overlayer_lowered;
	s5 =	simm.s32 $_tile_overlayer_lowered  }
0x9b: {  	s22 =	simm.s32 $0x1BFF;
	s21 =	sshll.u32 s5, $0x1;
	s2 =	sadd.s32 s19, s18  }
0x9c: {  	s6 =	simm.s32 $0x0;
	s20 =	sshll.u32 s4, $0x1;
	s4 =	sadd.s32 s21, s2  }
0x9d: {  	[timem:s6], [sflag:s22] =	dma.local [hbm:s4], s20  }
0x9e: {  	_ =	swait.ge [sflag:s22], s20  }
0x9f: {  	s3 =	ssub.s32 $0x0, s20;
	[sflag:s22] =	ssyncset.done $0x0  }
0xa0: {  	[sflag:s22] =	ssyncadd.s32 s3;
	_ =	sdelay $0x1  }
0xa1: {  	s23 =	simm.s32 $0x1B8B  }
0xa2: {  	_ =	swait.ge [sflag:s23], $0x1  }
0xa3: {  	[sflag:s23] =	ssyncset.done $0x0  }
0xa4: {  	s25 =	simm.s32 $0x1B8E;
	s24 =	sld [smem:$0x3FFE];
	[sflag:s23] =	ssyncadd.s32 $0xFFFFFFFF  }
0xa5: {  	s26 =	simm.s32 $execute0_lowered;
	[smem:$0x3FD2] =	sst s25  }
0xa6: {  	s4 =	sshll.u32 s26, $0x1;
	_ =	strace $0x80000046;
	[dreg:$0x1] =	wrdreg $0xFFFFFFFF  }
0xa7: {  	s28 =	simm.s32 $_size_execute0_lowered;
	s2 =	sadd.s32 s2, s4;
	[dreg:$0x0] =	wrdreg $0x0  }
0xa8: {  	s4 =	sshll.u32 s28, $0x1;
	[dreg:$0x2] =	wrdreg s2  }
0xa9: {  	[dreg:$0x3] =	wrdreg s4  }
0xaa: {  	[dreg:$0x4] =	wrdreg $0xC0  }
0xab: {  	_ =	task [dreg:s6], $0x5FFFF  }
0xac: {  	[dreg:$0x1] =	wrdreg $0xFFFFFFFF  }
0xad: {  	[dreg:$0x0] =	wrdreg $0x60  }
0xae: {  	[dreg:$0x2] =	wrdreg s24  }
0xaf: {  	[dreg:$0x3] =	wrdreg $0xC4800  }
0xb0: {  	[dreg:$0x4] =	wrdreg $0x9  }
0xb1: {  	_ =	task.clear_ibuf [dreg:s6], $0x5FFFF;
	_ =	strace $0x90000046  }
0xb2: {  	s29 =	simm.s32 $0x9;
	_ =	strace $0x80000048  }
0xb3: {  	_ =	swait.ge [sflag:s29], $0x1  }
0xb4: {  	[sflag:s29] =	ssyncadd.s32 $0xFFFFFFFF  }
0xb5: {  	_ =	strace $0x90000048  }
0xb6: {  	_ =	sfence  }
0xb7: {  	s30 =	sld [smem:$0x0];
	_ =	sdelay $0x2  }
0xb8: {  	s31 =	sshll.u32 s1, $0xD;
	s1 =	sshrl.u32 s1, $0x2  }
0xb9: {  	s3 =	sand.u32 $0x4000, s31;
	s1 =	sadd.s32 s1, s30  }
0xba: {  	s0 =	sor.u32 s3, s0;
	s1 =	sshll.u32 s1, $0x11  }
0xbb: {  	s0 =	sor.u32 s1, s0  }
0xbc: {  	s0 =	sadd.s32 $0x8F2B, s0  }
0xbd: {  	[sflag:s0] =	ssyncadd.remote.s32 $0x1  }
0xbe: {  	_ =	sfence.sel $0xFFFF  }
0xbf: {  	[dreg:$0x0] =	wrdreg $0xFFFFFFFF;
	(pc) =	sbr.abs _section_cstart, $3  }
0xc0: {  	[dreg:$0x1] =	wrdreg $0xFFFFFFFF  }
0xc1: {  	_ =	task.clear_ibuf [dreg:s6], $0x2FFFF;
	_ =	strace $0x9FFFFFFF  }
0xc2: {  	(tm) =	ssettm $0x7FFFFFFF  }
0xc3: {  	_ =	shalt  }
tec
execute0_lowered:
.L_overlay_start_1:
0x0: {  	(tag) =	ssettag $0x1  }
0x1: {  	s0 =	rddreg [dreg:$0x0]  }
0x2: {  	s1 =	rddreg [dreg:$0x1]  }
0x3: {  	s2 =	simm.s32 $0x0;
	s7 =	stileid.u32;
	s10 =	srdreg.scid  }
0x4: {  	s28 =	simm.s32 $0x80;
	s29 =	simm.s32 $0x200;
	s30 =	simm.s32 $0x380  }
0x5: {  	[smem:$0x7FF] =	sst s2;
	s8 =	smul.u32 $0x13800, s7;
	s3 =	sadd.s32 $0x20200, s0  }
0x6: {  	s4 =	sadd.s32 $0x16000, s0;
	s5 =	sadd.s32 $0xBE00, s0;
	s6 =	sadd.s32 $0x1C00, s0  }
0x7: {  	s10 =	sand.u32 $0x1, s10;
	s13 =	smul.u32 $0x4E000, s7;
	s14 =	sadd.s32 $0x6E600, s0  }
0x8: {  	s26 =	sshll.u32 s7, $0x6;
	s31 =	sadd.s32 $0x138000, s1;
	p0 =	sne.s32 s7, $0x0  }
0x9: {  	_ =	strace $0x80000047;
	s11 =	ssub.s32 $0x2, s10;
	s12 =	sshll.u32 s10, $0x4  }
0xa: {  	s20 =	sor.u32 $0x1C0A, s26;
	[dreg:$0x6] =	wrdreg s31;
	s19 =	smul.u32 $0x138800, s10  }
0xb: {  	s10 =	simm.s32 $0x4;
	s9 =	sshrl.u32 s8, $0x3;
	s15 =	sshrl.u32 s11, $0x1  }
0xc: {  	s12 =	sor.u32 s7, s12;
	s13 =	sshrl.u32 s13, $0x2;
	s7 =	simm.s32 $0x2  }
0xd: {  	[dreg:$0x5] =	wrdreg s20;
	s9 =	sadd.s32 s9, s0;
	s11 =	ssub.s32 s11, s15  }
0xe: {  	s12 =	smul.u32 $0x2880, s12;
	s13 =	sadd.s32 s13, s1;
	s0 =	sadd.s32 $0x6E400, s0  }
0xf: {  	s23 =	sadd.s32 s8, s19;
	s24 =	sshrl.u32 s19, $0x3;
	[dreg:$0x3] =	wrdreg s13  }
0x10: {  	s9 =	sadd.s32 $0x47400, s9;
	[dreg:$0x7] =	wrdreg s0;
	s8 =	sadd.s32 s14, s24  }
0x11: {  	s31 =	smax.u32 s11, $0x1;
	s11 =	simm.s32 $0x100;
	[dreg:$0x4] =	wrdreg s9  }
0x12: {  	s13 =	sshrl.u32 s12, $0x3;
	s25 =	sadd.s32 $0x200, s12;
	[dreg:$0x11] =	wrdreg s31  }
0x13: {  	s19 =	sadd.s32 $0x180, s12;
	s26 =	sadd.s32 $0x27000, s8;
	[dreg:$0xe] =	wrdreg s25  }
0x14: {  	s8 =	simm.s32 $0x4480;
	s15 =	sadd.s32 s4, s13;
	[dreg:$0x10] =	wrdreg s26  }
0x15: {  	s16 =	sadd.s32 s5, s13;
	s17 =	sadd.s32 s6, s13;
	[dreg:$0x8] =	wrdreg s15  }
0x16: {  	s18 =	sadd.s32 $0x10, s13;
	s26 =	simm.s32 $0x300;
	[dreg:$0x9] =	wrdreg s16  }
0x17: {  	s13 =	simm.s32 $0x400;
	[dreg:$0xa] =	wrdreg s17;
	s21 =	sadd.s32 s4, s18  }
0x18: {  	s22 =	sadd.s32 s5, s18;
	s0 =	sadd.s32 s6, s18;
	s18 =	sadd.s32 $0x100, s12  }
.Ltmp0:
0x19: {  	s12 =	simm.s32 $0x280;
	[dreg:$0xb] =	wrdreg s21;
	(pc) =	sbr.rel .LBB2_1-.Ltmp0, $4  }
0x1a: {  	s15 =	simm.s32 $0x8480;
	s16 =	simm.s32 $0x5;
	[dreg:$0xc] =	wrdreg s22  }
0x1b: {  	s17 =	simm.s32 $0x6;
	[dreg:$0xd] =	wrdreg s0;
	s0 =	sshrl.u32 s23, $0x3  }
0x1c: {  	s21 =	simm.s32 $0xA;
	s22 =	simm.s32 $0x8;
	s0 =	sadd.s32 s14, s0  }
0x1d: {  	s23 =	simm.s32 $0x0;
	s14 =	simm.s32 $0x3;
	[dreg:$0xf] =	wrdreg s0  }
.LBB2_10:
0x1e: {  	s0 =	simm.s32 $0x7  }
0x1f: {  	_ =	swait.ge [sflag:s0], $0x4000  }
0x20: {  	[sflag:s0] =	ssyncset.done $0x0  }
0x21: {  	[sflag:s0] =	ssyncadd.s32 $0xFFFFC000  }
0x22: {  	_ =	swait.ge [sflag:s22], $0x4000  }
0x23: {  	[sflag:s22] =	ssyncset.done $0x0  }
0x24: {  	s24 =	simm.s32 $0x9;
	[sflag:s22] =	ssyncadd.s32 $0xFFFFC000  }
0x25: {  	_ =	swait.ge [sflag:s24], $0x4000  }
0x26: {  	[sflag:s24] =	ssyncset.done $0x0  }
0x27: {  	[sflag:s24] =	ssyncadd.s32 $0xFFFFC000  }
0x28: {  	[bflag:$0x0] =	sbarrier.arrive $0xFFFF  }
0x29: {  	s20 =	rddreg [dreg:$0x5]  }
0x2a: {  	s25 =	rddreg [dreg:$0xf]  }
0x2b: {  	s21 =	simm.s32 $0xA;
	s9 =	rddreg [dreg:$0x13]  }
0x2c: {  	[hbm:s25], [sflag:s20] =	dma.local [spmem:s9], $0x2700  }
0x2d: {  	_ =	swait.ge [sflag:s21], $0x2700  }
0x2e: {  	[sflag:s21] =	ssyncset.done $0x0;
	s0 =	rddreg [dreg:$0x10]  }
0x2f: {  	s9 =	rddreg [dreg:$0x14];
	[sflag:s21] =	ssyncadd.s32 $0xFFFFD900  }
0x30: {  	[hbm:s0], [sflag:s20] =	dma.local @!p0 [spmem:s9], $0x100  }
0x31: {  	s0 =	simm.s32 @!p0 $0xA  }
0x32: {  	_ =	swait.ge @!p0 [sflag:s0], $0x100  }
0x33: {  	s23 =	rddreg [dreg:$0x12]  }
0x34: {  	s31 =	rddreg [dreg:$0x11];
	s23 =	sadd.s32 $0x1, s23  }
0x35: {  	p1 =	sne.s32 s23, s31  }
.Ltmp1:
0x36: {  	_ = 	snop;
	(pc) =	sbr.rel @!p1 .LBB2_11-.Ltmp1, $3  }
0x37: {  	_ =	sdelay $0x1  }
0x38: {  	[sflag:s0] =	ssyncset.done @!p0 $0x0  }
0x39: {  	[sflag:s0] =	ssyncadd.s32 @!p0 $0xFFFFFF00  }
.LBB2_1:
0x3a: {  	[dreg:$0x12] =	wrdreg s23  }
0x3b: {  	s0 =	rddreg [dreg:$0x3]  }
0x3c: {  	s23 =	rddreg [dreg:$0x4];
	s9 =	sshrl.u32 s0, $0x3  }
0x3d: {  	[dreg:$0x13] =	wrdreg s9  }
0x3e: {  	[spmem:s9], [sflag:s20] =	dma.local [hbm:s23], $0x2700  }
0x3f: {  	_ =	swait.ge [sflag:s21], $0x2700  }
0x40: {  	s0 =	rddreg [dreg:$0x6]  }
0x41: {  	[sflag:s21] =	ssyncset.done $0x0;
	s9 =	sshrl.u32 @!p0 s0, $0x3;
	s0 =	rddreg [dreg:$0x7]  }
0x42: {  	[sflag:s21] =	ssyncadd.s32 $0xFFFFD900;
	[dreg:$0x14] =	wrdreg s9  }
0x43: {  	[spmem:s9], [sflag:s20] =	dma.local @!p0 [hbm:s0], $0x100  }
0x44: {  	s9 =	simm.s32 @!p0 $0xA  }
0x45: {  	_ =	swait.ge @!p0 [sflag:s9], $0x100  }
0x46: {  	[sflag:s9] =	ssyncset.done @!p0 $0x0  }
0x47: {  	s24 =	rddreg [dreg:$0x8];
	[sflag:s9] =	ssyncadd.s32 @!p0 $0xFFFFFF00  }
0x48: {  	[tilespmem:s2], [sflag:$0x1] =	stream.linear.gather [hbm4b:s24+s2], $0x80, $0x38;
	[tilespmem:$0x1FD00] =	vst v63  }
0x49: {  	s31 =	simm.s32 $0x180;
	s25 =	rddreg [dreg:$0x9]  }
0x4a: {  	[tilespmem:s31], [sflag:$0x1] =	stream.linear.gather [hbm4b:s25+s2], $0x80, $0x38;
	[tilespmem:$0x1FD00] =	vst v63  }
0x4b: {  	s20 =	rddreg [dreg:$0xa]  }
0x4c: {  	[tilespmem:s26], [sflag:$0x1] =	stream.linear.gather [hbm4b:s20+s2], $0x80, $0x38;
	[tilespmem:$0x1FD00] =	vst v63  }
0x4d: {  	s21 =	rddreg [dreg:$0xb]  }
0x4e: {  	[tilespmem:s28], [sflag:$0x2] =	stream.linear.gather [hbm4b:s21+s2], $0x80, $0x38;
	[tilespmem:$0x1FD00] =	vst v63  }
0x4f: {  	s23 =	rddreg [dreg:$0xc]  }
0x50: {  	[tilespmem:s29], [sflag:$0x2] =	stream.linear.gather [hbm4b:s23+s2], $0x80, $0x38;
	[tilespmem:$0x1FD00] =	vst v63  }
0x51: {  	s24 =	rddreg [dreg:$0xd];
	s25 =	simm.s32 $0x1  }
0x52: {  	[tilespmem:s30], [sflag:$0x2] =	stream.linear.gather [hbm4b:s24+s2], $0x80, $0x38;
	[tilespmem:$0x1FD00] =	vst v63  }
0x53: {  	_ =	swait.ge [sflag:s25], $0x80  }
0x54: {  	[sflag:s25] =	ssyncset.done $0x0  }
0x55: {  	[sflag:s25] =	ssyncadd.s32 $0xFFFFFF80  }
0x56: {  	_ =	swait.ge [sflag:s25], $0x80  }
0x57: {  	[sflag:s25] =	ssyncset.done $0x0  }
0x58: {  	[sflag:s25] =	ssyncadd.s32 $0xFFFFFF80  }
0x59: {  	_ =	swait.ge [sflag:s25], $0x80  }
0x5a: {  	[sflag:s25] =	ssyncset.done $0x0  }
0x5b: {  	s31 =	simm.s32 $0x480;
	s23 =	simm.s32 $0x0;
	[sflag:s25] =	ssyncadd.s32 $0xFFFFFF80  }
0x5c: {  	[tilespmem:s31], [sflag:$0x4] =	stream.indirect.gather [hbm4b:s3+s28], $0x80, s2, s28, $0xb8;
	[tilespmem:$0x1FD00] =	vst v63  }
.LBB2_2:
0x5d: {  	_ =	swait.ge [sflag:s7], $0x80  }
0x5e: {  	[sflag:s7] =	ssyncset.done $0x0  }
0x5f: {  	[sflag:s7] =	ssyncadd.s32 $0xFFFFFF80  }
0x60: {  	_ =	swait.ge [sflag:s7], $0x80  }
0x61: {  	[sflag:s7] =	ssyncset.done $0x0  }
0x62: {  	s9 =	simm.s32 $0x0;
	[sflag:s7] =	ssyncadd.s32 $0xFFFFFF80  }
0x63: {  	v0 =	vmov s9;
	_ =	swait.ge [sflag:s7], $0x80  }
0x64: {  	v0 =	vand.u32 $0xFFFFFFFC, v0;
	[sflag:s7] =	ssyncset.done $0x0  }
0x65: {  	v0 =	vbroadcast v0, $0x0;
	[sflag:s7] =	ssyncadd.s32 $0xFFFFFF80  }
0x66: {  	[tilespmem:s8], [sflag:$0x5] =	stream.indirect.gather [hbm4b:s3+s28], $0x80, s28, s28, $0xb8;
	[tilespmem:$0x1FD00] =	vst v63  }
0x67: {  	_ =	swait.ge [sflag:s10], $0x4000  }
0x68: {  	[sflag:s10] =	ssyncset.done $0x0  }
0x69: {  	s24 =	simm.s32 $0x580;
	[sflag:s10] =	ssyncadd.s32 $0xFFFFC000  }
0x6a: {  	v1 =	vld [tilespmem:s24+$0xFFFFFF70]  }
0x6b: {  	v0 =	vld.idx.msk [tilespmem:v0+s26+$0x0], $0xffff  }
0x6c: {  	v2 =	vld [tilespmem:s24+$0xFFFFFF00]  }
0x6d: {  	v3 =	vld [tilespmem:s24+$0xFFFFFF20]  }
0x6e: {  	v4 =	vld [tilespmem:s24+$0xFFFFFF50]  }
0x6f: {  	v5 =	vld [tilespmem:s24+$0xFFFFFF40]  }
0x70: {  	v6 =	vld [tilespmem:s24+$0xFFFFFF60];
	v1 =	vmul.f32 v1, v0  }
0x71: {  	s21 =	simm.s32 $0x1;
	v7 =	vld [tilespmem:s24+$0xFFFFFF30];
	v2 =	vmul.f32 v2, v0  }
0x72: {  	v8 =	vld [tilespmem:s24+$0xFFFFFF10];
	v3 =	vmul.f32 v3, v0;
	[tilespmem:s24+$0xFFFFFF70] =	vst v1;
	v1 =	vmov s21  }
0x73: {  	v4 =	vmul.f32 v4, v0;
	[tilespmem:s24+$0xFFFFFF00] =	vst v2;
	v1 =	vand.u32 $0xFFFFFFFD, v1  }
0x74: {  	v2 =	vmul.f32 v5, v0;
	[tilespmem:s24+$0xFFFFFF20] =	vst v3;
	v1 =	vbroadcast v1, $0x0  }
0x75: {  	v3 =	vmul.f32 v6, v0;
	[tilespmem:s24+$0xFFFFFF50] =	vst v4  }
0x76: {  	v4 =	vmul.f32 v7, v0;
	[tilespmem:s24+$0xFFFFFF40] =	vst v2  }
0x77: {  	v0 =	vmul.f32 v8, v0;
	[tilespmem:s24+$0xFFFFFF60] =	vst v3  }
0x78: {  	[tilespmem:s24+$0xFFFFFF30] =	vst v4  }
0x79: {  	[tilespmem:s24+$0xFFFFFF10] =	vst v0;
	v0 =	vld [tilespmem:s24+$0xFFFFFF90]  }
0x7a: {  	v2 =	vld.idx.msk [tilespmem:v1+s26+$0x0], $0xffff  }
0x7b: {  	v1 =	vld [tilespmem:s24+$0xFFFFFFA0]  }
0x7c: {  	v3 =	vld [tilespmem:s24+$0xFFFFFF80]  }
0x7d: {  	v4 =	vld [tilespmem:s24+$0xFFFFFFB0]  }
0x7e: {  	v5 =	vld [tilespmem:s24+$0xFFFFFFC0]  }
0x7f: {  	v6 =	vld [tilespmem:s24+$0xFFFFFFD0];
	v0 =	vmul.f32 v0, v2  }
0x80: {  	s25 =	simm.s32 $0x2;
	v7 =	vld [tilespmem:s24+$0xFFFFFFF0];
	v1 =	vmul.f32 v1, v2  }
0x81: {  	v8 =	vld [tilespmem:s24+$0xFFFFFFE0];
	v3 =	vmul.f32 v3, v2;
	[tilespmem:s24+$0xFFFFFF90] =	vst v0;
	v0 =	vmov s25  }
0x82: {  	v4 =	vmul.f32 v4, v2;
	[tilespmem:s24+$0xFFFFFFA0] =	vst v1;
	v0 =	vand.u32 $0xFFFFFFFE, v0  }
0x83: {  	v1 =	vmul.f32 v5, v2;
	[tilespmem:s24+$0xFFFFFF80] =	vst v3;
	v5 =	vld [tilespmem:s24+$0x60];
	v9 =	vbroadcast v0, $0x0  }
0x84: {  	v3 =	vmul.f32 v6, v2;
	[tilespmem:s24+$0xFFFFFFB0] =	vst v4;
	v6 =	vld [tilespmem:s24+$0x0]  }
0x85: {  	v4 =	vmul.f32 v7, v2;
	v0 =	vld [tilespmem:s24+$0x20];
	[tilespmem:s24+$0xFFFFFFC0] =	vst v1  }
0x86: {  	v2 =	vmul.f32 v8, v2;
	v1 =	vld [tilespmem:s24+$0x30];
	[tilespmem:s24+$0xFFFFFFD0] =	vst v3  }
0x87: {  	[tilespmem:s24+$0xFFFFFFF0] =	vst v4;
	v3 =	vld [tilespmem:s24+$0x40]  }
0x88: {  	[tilespmem:s24+$0xFFFFFFE0] =	vst v2;
	v4 =	vld [tilespmem:s24+$0x10]  }
0x89: {  	s31 =	simm.s32 $0x4;
	s21 =	simm.s32 $0x580;
	v2 =	vld.idx.msk [tilespmem:v9+s26+$0x0], $0xffff  }
.LBB2_3:
0x8a: {  	p1 =	slt.u32 s31, $0x7C  }
0x8b: {  	v7 =	vld [tilespmem:s24+$0x50];
	s21 =	sadd.s32 $0x200, s21;
	s25 =	smov.u32 s31;
	s31 =	sadd.s32 $0x4, s31  }
0x8c: {  	v8 =	vld [tilespmem:s24+$0x70];
	_ =	sdelay $0x1  }
0x8d: {  	v5 =	vmul.f32 v5, v2;
	v6 =	vmul.f32 v6, v2  }
0x8e: {  	v3 =	vmul.f32 v3, v2;
	v4 =	vmul.f32 v4, v2  }
0x8f: {  	v0 =	vmul.f32 v0, v2;
	v1 =	vmul.f32 v1, v2;
	[tilespmem:s24+$0x60] =	vst v5  }
0x90: {  	[tilespmem:s24+$0x40] =	vst v3;
	v3 =	vmul.f32 v7, v2;
	v2 =	vmul.f32 v8, v2  }
0x91: {  	s0 =	sadd.s32 $0x3, s9;
	s9 =	smov.u32 s25;
	[tilespmem:s24+$0x20] =	vst v0;
	v5 =	vld [tilespmem:s24+$0x80]  }
0x92: {  	v0 =	vld [tilespmem:s21+$0x20];
	[tilespmem:s24+$0x0] =	vst v6;
	v6 =	vmov s0  }
0x93: {  	[tilespmem:s24+$0x50] =	vst v3;
	v3 =	vld [tilespmem:s24+$0xE0]  }
0x94: {  	[tilespmem:s24+$0x30] =	vst v1;
	v7 =	vld [tilespmem:s24+$0xC0]  }
0x95: {  	v1 =	vld [tilespmem:s21+$0x30];
	[tilespmem:s24+$0x10] =	vst v4  }
0x96: {  	[tilespmem:s24+$0x70] =	vst v2;
	v2 =	vld [tilespmem:s24+$0xA0]  }
0x97: {  	v4 =	vld.idx.msk [tilespmem:v6+s26+$0x0], $0xffff  }
0x98: {  	v6 =	vld [tilespmem:s24+$0x90]  }
0x99: {  	v8 =	vld [tilespmem:s24+$0xB0]  }
0x9a: {  	v9 =	vld [tilespmem:s24+$0xD0]  }
0x9b: {  	v10 =	vld [tilespmem:s24+$0xF0];
	_ =	sdelay $0x1  }
0x9c: {  	v5 =	vmul.f32 v5, v4;
	v6 =	vmul.f32 v6, v4  }
0x9d: {  	v2 =	vmul.f32 v2, v4;
	v8 =	vmul.f32 v8, v4  }
0x9e: {  	v11 =	vmov s9;
	[tilespmem:s24+$0x80] =	vst v5;
	v5 =	vmul.f32 v7, v4;
	v7 =	vmul.f32 v9, v4  }
0x9f: {  	v9 =	vand.u32 $0xFFFFFFFC, v11;
	[tilespmem:s24+$0xA0] =	vst v2;
	v2 =	vmul.f32 v3, v4;
	v3 =	vmul.f32 v10, v4  }
0xa0: {  	v4 =	vbroadcast v9, $0x0;
	[tilespmem:s24+$0xC0] =	vst v5  }
0xa1: {  	[tilespmem:s24+$0xF0] =	vst v3  }
0xa2: {  	v3 =	vld [tilespmem:s21+$0xFFFFFF40];
	[tilespmem:s24+$0xE0] =	vst v2  }
0xa3: {  	v2 =	vld [tilespmem:s21+$0xFFFFFF50];
	[tilespmem:s24+$0x90] =	vst v6  }
0xa4: {  	v5 =	vld [tilespmem:s21+$0xFFFFFF60];
	[tilespmem:s24+$0xB0] =	vst v8  }
0xa5: {  	v6 =	vld [tilespmem:s21+$0xFFFFFF70];
	[tilespmem:s24+$0xD0] =	vst v7;
	s24 =	smov.u32 s21  }
0xa6: {  	v4 =	vld.idx.msk [tilespmem:v4+s26+$0x0], $0xffff  }
0xa7: {  	v7 =	vld [tilespmem:s21+$0xFFFFFF00]  }
0xa8: {  	v8 =	vld [tilespmem:s21+$0xFFFFFF20]  }
0xa9: {  	v9 =	vld [tilespmem:s21+$0xFFFFFF10]  }
0xaa: {  	v10 =	vld [tilespmem:s21+$0xFFFFFF30];
	_ =	sdelay $0x1  }
0xab: {  	v6 =	vmul.f32 v6, v4;
	v7 =	vmul.f32 v7, v4  }
0xac: {  	s0 =	sadd.s32 $0x1, s9;
	v5 =	vmul.f32 v5, v4;
	v8 =	vmul.f32 v8, v4  }
0xad: {  	v2 =	vmul.f32 v2, v4;
	v9 =	vmul.f32 v9, v4;
	[tilespmem:s21+$0xFFFFFF70] =	vst v6;
	v6 =	vmov s0  }
0xae: {  	v3 =	vmul.f32 v3, v4;
	[tilespmem:s21+$0xFFFFFF00] =	vst v7;
	v7 =	vmul.f32 v10, v4;
	v4 =	vand.u32 $0xFFFFFFFD, v6  }
0xaf: {  	[tilespmem:s21+$0xFFFFFF20] =	vst v8;
	v4 =	vbroadcast v4, $0x0  }
0xb0: {  	[tilespmem:s21+$0xFFFFFF50] =	vst v2  }
0xb1: {  	[tilespmem:s21+$0xFFFFFF40] =	vst v3;
	v2 =	vld [tilespmem:s21+$0xFFFFFFF0]  }
0xb2: {  	[tilespmem:s21+$0xFFFFFF60] =	vst v5;
	v3 =	vld [tilespmem:s21+$0xFFFFFFC0]  }
0xb3: {  	[tilespmem:s21+$0xFFFFFF30] =	vst v7;
	v5 =	vld [tilespmem:s21+$0xFFFFFFD0]  }
0xb4: {  	[tilespmem:s21+$0xFFFFFF10] =	vst v9;
	v6 =	vld [tilespmem:s21+$0xFFFFFF90]  }
0xb5: {  	v4 =	vld.idx.msk [tilespmem:v4+s26+$0x0], $0xffff  }
0xb6: {  	v7 =	vld [tilespmem:s21+$0xFFFFFF80]  }
0xb7: {  	v8 =	vld [tilespmem:s21+$0xFFFFFFA0]  }
0xb8: {  	v9 =	vld [tilespmem:s21+$0xFFFFFFB0]  }
0xb9: {  	v10 =	vld [tilespmem:s21+$0xFFFFFFE0];
	_ =	sdelay $0x1  }
0xba: {  	v6 =	vmul.f32 v6, v4;
	v7 =	vmul.f32 v7, v4  }
0xbb: {  	s0 =	sadd.s32 $0x2, s9;
	v5 =	vmul.f32 v5, v4;
	v8 =	vmul.f32 v8, v4  }
0xbc: {  	v3 =	vmul.f32 v3, v4;
	[tilespmem:s21+$0xFFFFFF90] =	vst v6;
	v6 =	vmul.f32 v9, v4;
	v9 =	vmov s0  }
0xbd: {  	v2 =	vmul.f32 v2, v4;
	[tilespmem:s21+$0xFFFFFFA0] =	vst v8;
	v8 =	vmul.f32 v10, v4;
	v4 =	vand.u32 $0xFFFFFFFE, v9  }
0xbe: {  	[tilespmem:s21+$0xFFFFFF80] =	vst v7;
	v4 =	vbroadcast v4, $0x0  }
0xbf: {  	[tilespmem:s21+$0xFFFFFFB0] =	vst v6  }
0xc0: {  	[tilespmem:s21+$0xFFFFFFC0] =	vst v3  }
0xc1: {  	[tilespmem:s21+$0xFFFFFFD0] =	vst v5  }
.Ltmp2:
0xc2: {  	[tilespmem:s21+$0xFFFFFFF0] =	vst v2;
	v3 =	vld [tilespmem:s21+$0x40];
	(pc) =	sbr.rel @p1 .LBB2_3-.Ltmp2, $4  }
0xc3: {  	[tilespmem:s21+$0xFFFFFFE0] =	vst v8;
	v5 =	vld [tilespmem:s21+$0x60]  }
0xc4: {  	v2 =	vld.idx.msk [tilespmem:v4+s26+$0x0], $0xffff  }
0xc5: {  	v6 =	vld [tilespmem:s21+$0x0]  }
0xc6: {  	v4 =	vld [tilespmem:s21+$0x10]  }
0xc7: {  	_ =	sdelay $0x1  }
0xc8: {  	v5 =	vmul.f32 v5, v2  }
0xc9: {  	v7 =	vld [tilespmem:s24+$0x50];
	v3 =	vmul.f32 v3, v2  }
0xca: {  	v8 =	vld [tilespmem:s24+$0x70];
	v0 =	vmul.f32 v0, v2;
	[tilespmem:s24+$0x60] =	vst v5  }
0xcb: {  	v5 =	vmul.f32 v6, v2;
	[tilespmem:s24+$0x40] =	vst v3  }
0xcc: {  	s0 =	sadd.s32 $0x3, s9;
	[tilespmem:s24+$0x20] =	vst v0;
	v0 =	vmul.f32 v1, v2  }
0xcd: {  	v4 =	vmul.f32 v4, v2;
	[tilespmem:s24+$0x0] =	vst v5;
	v5 =	vmov s0  }
0xce: {  	v3 =	vmul.f32 v7, v2;
	[tilespmem:s24+$0x30] =	vst v0  }
0xcf: {  	v2 =	vmul.f32 v8, v2;
	[tilespmem:s24+$0x10] =	vst v4  }
0xd0: {  	[tilespmem:s24+$0x50] =	vst v3  }
0xd1: {  	v1 =	vld [tilespmem:s24+$0x80];
	[tilespmem:s24+$0x70] =	vst v2  }
0xd2: {  	v0 =	vld.idx.msk [tilespmem:v5+s26+$0x0], $0xffff  }
0xd3: {  	v2 =	vld [tilespmem:s24+$0xA0]  }
0xd4: {  	v3 =	vld [tilespmem:s24+$0xC0]  }
0xd5: {  	v4 =	vld [tilespmem:s24+$0xF0]  }
0xd6: {  	v5 =	vld [tilespmem:s24+$0xE0]  }
0xd7: {  	v6 =	vld [tilespmem:s24+$0x90];
	v1 =	vmul.f32 v1, v0  }
0xd8: {  	v7 =	vld [tilespmem:s24+$0xB0];
	v2 =	vmul.f32 v2, v0  }
0xd9: {  	v8 =	vld [tilespmem:s24+$0xD0];
	[tilespmem:s24+$0x80] =	vst v1;
	v1 =	vmul.f32 v3, v0  }
0xda: {  	[tilespmem:s24+$0xA0] =	vst v2;
	v2 =	vmul.f32 v4, v0  }
0xdb: {  	v3 =	vmul.f32 v5, v0;
	[tilespmem:s24+$0xC0] =	vst v1  }
0xdc: {  	v1 =	vmul.f32 v6, v0;
	[tilespmem:s24+$0xF0] =	vst v2  }
0xdd: {  	v2 =	vmul.f32 v7, v0;
	[tilespmem:s24+$0xE0] =	vst v3  }
0xde: {  	v0 =	vmul.f32 v8, v0;
	[tilespmem:s24+$0x90] =	vst v1  }
0xdf: {  	[tilespmem:s24+$0xB0] =	vst v2  }
0xe0: {  	s25 =	simm.s32 $0x480;
	[tilespmem:s24+$0xD0] =	vst v0;
	s24 =	simm.s32 $0x180  }
0xe1: {  	[spmem:s1] =	stream.indirect.scatter.add.f32 [tilespmem:s25], [sflag:$0x7], $0x80, s24, s28, $0xb8;
	[tilespmem:$0x1FD00] =	vst v63  }
0xe2: {  	p1 =	seq.s32 s23, $0x0;
	s24 =	smul.u32 $0x180, s23  }
0xe3: {  	s0 =	simm.s32 @!p1 $0x9  }
0xe4: {  	_ =	swait.ge @!p1 [sflag:s0], $0x4000;
	s20 =	sadd.s32 s24, s18  }
0xe5: {  	[sflag:s0] =	ssyncset.done @!p1 $0x0;
	s9 =	sshrl.u32 s20, $0x3  }
0xe6: {  	s31 =	simm.s32 $0x0;
	[sflag:s0] =	ssyncadd.s32 @!p1 $0xFFFFC000;
	s21 =	sadd.s32 s4, s9  }
0xe7: {  	[tilespmem:s11], [sflag:$0x3] =	stream.linear.gather [hbm4b:s21+s31], $0x80, $0x38;
	[tilespmem:$0x1FD00] =	vst v63  }
0xe8: {  	s25 =	sadd.s32 s5, s9  }
0xe9: {  	[tilespmem:s12], [sflag:$0x3] =	stream.linear.gather [hbm4b:s25+s31], $0x80, $0x38;
	[tilespmem:$0x1FD00] =	vst v63  }
0xea: {  	s20 =	sadd.s32 s6, s9  }
0xeb: {  	[tilespmem:s13], [sflag:$0x3] =	stream.linear.gather [hbm4b:s20+s31], $0x80, $0x38;
	[tilespmem:$0x1FD00] =	vst v63  }
0xec: {  	_ =	swait.ge [sflag:s14], $0x80  }
0xed: {  	[sflag:s14] =	ssyncset.done $0x0  }
0xee: {  	[sflag:s14] =	ssyncadd.s32 $0xFFFFFF80  }
0xef: {  	_ =	swait.ge [sflag:s14], $0x80  }
0xf0: {  	[sflag:s14] =	ssyncset.done $0x0  }
0xf1: {  	[sflag:s14] =	ssyncadd.s32 $0xFFFFFF80  }
0xf2: {  	v0 =	vmov s31;
	_ =	swait.ge [sflag:s14], $0x80  }
0xf3: {  	v0 =	vand.u32 $0xFFFFFFFC, v0;
	[sflag:s14] =	ssyncset.done $0x0  }
0xf4: {  	v0 =	vbroadcast v0, $0x0;
	[sflag:s14] =	ssyncadd.s32 $0xFFFFFF80  }
0xf5: {  	[tilespmem:s15], [sflag:$0x6] =	stream.indirect.gather [hbm4b:s3+s28], $0x80, s11, s28, $0xb8;
	[tilespmem:$0x1FD00] =	vst v63  }
0xf6: {  	_ =	swait.ge [sflag:s16], $0x4000  }
0xf7: {  	[sflag:s16] =	ssyncset.done $0x0  }
0xf8: {  	s9 =	simm.s32 $0x4580;
	[sflag:s16] =	ssyncadd.s32 $0xFFFFC000  }
0xf9: {  	v1 =	vld [tilespmem:s9+$0xFFFFFF70]  }
0xfa: {  	v0 =	vld.idx.msk [tilespmem:v0+s30+$0x0], $0xffff  }
0xfb: {  	v2 =	vld [tilespmem:s9+$0xFFFFFF00]  }
0xfc: {  	v3 =	vld [tilespmem:s9+$0xFFFFFF20]  }
0xfd: {  	v4 =	vld [tilespmem:s9+$0xFFFFFF50]  }
0xfe: {  	v5 =	vld [tilespmem:s9+$0xFFFFFF40]  }
0xff: {  	v6 =	vld [tilespmem:s9+$0xFFFFFF60];
	v1 =	vmul.f32 v1, v0  }
0x100: {  	s21 =	simm.s32 $0x1;
	v7 =	vld [tilespmem:s9+$0xFFFFFF30];
	v2 =	vmul.f32 v2, v0  }
0x101: {  	v8 =	vld [tilespmem:s9+$0xFFFFFF10];
	v3 =	vmul.f32 v3, v0;
	[tilespmem:s9+$0xFFFFFF70] =	vst v1;
	v1 =	vmov s21  }
0x102: {  	v4 =	vmul.f32 v4, v0;
	[tilespmem:s9+$0xFFFFFF00] =	vst v2;
	v1 =	vand.u32 $0xFFFFFFFD, v1  }
0x103: {  	v2 =	vmul.f32 v5, v0;
	[tilespmem:s9+$0xFFFFFF20] =	vst v3;
	v1 =	vbroadcast v1, $0x0  }
0x104: {  	v3 =	vmul.f32 v6, v0;
	[tilespmem:s9+$0xFFFFFF50] =	vst v4  }
0x105: {  	v4 =	vmul.f32 v7, v0;
	[tilespmem:s9+$0xFFFFFF40] =	vst v2  }
0x106: {  	v0 =	vmul.f32 v8, v0;
	[tilespmem:s9+$0xFFFFFF60] =	vst v3  }
0x107: {  	[tilespmem:s9+$0xFFFFFF30] =	vst v4  }
0x108: {  	[tilespmem:s9+$0xFFFFFF10] =	vst v0;
	v0 =	vld [tilespmem:s9+$0xFFFFFF90]  }
0x109: {  	v2 =	vld.idx.msk [tilespmem:v1+s30+$0x0], $0xffff  }
0x10a: {  	v1 =	vld [tilespmem:s9+$0xFFFFFFA0]  }
0x10b: {  	v3 =	vld [tilespmem:s9+$0xFFFFFF80]  }
0x10c: {  	v4 =	vld [tilespmem:s9+$0xFFFFFFB0]  }
0x10d: {  	v5 =	vld [tilespmem:s9+$0xFFFFFFC0]  }
0x10e: {  	v6 =	vld [tilespmem:s9+$0xFFFFFFD0];
	v0 =	vmul.f32 v0, v2  }
0x10f: {  	s25 =	simm.s32 $0x2;
	v7 =	vld [tilespmem:s9+$0xFFFFFFF0];
	v1 =	vmul.f32 v1, v2  }
0x110: {  	v8 =	vld [tilespmem:s9+$0xFFFFFFE0];
	v3 =	vmul.f32 v3, v2;
	[tilespmem:s9+$0xFFFFFF90] =	vst v0;
	v0 =	vmov s25  }
0x111: {  	v4 =	vmul.f32 v4, v2;
	[tilespmem:s9+$0xFFFFFFA0] =	vst v1;
	v0 =	vand.u32 $0xFFFFFFFE, v0  }
0x112: {  	v1 =	vmul.f32 v5, v2;
	[tilespmem:s9+$0xFFFFFF80] =	vst v3;
	v5 =	vld [tilespmem:s9+$0x60];
	v9 =	vbroadcast v0, $0x0  }
0x113: {  	v3 =	vmul.f32 v6, v2;
	[tilespmem:s9+$0xFFFFFFB0] =	vst v4;
	v6 =	vld [tilespmem:s9+$0x0]  }
0x114: {  	v4 =	vmul.f32 v7, v2;
	v0 =	vld [tilespmem:s9+$0x20];
	[tilespmem:s9+$0xFFFFFFC0] =	vst v1  }
0x115: {  	v2 =	vmul.f32 v8, v2;
	v1 =	vld [tilespmem:s9+$0x30];
	[tilespmem:s9+$0xFFFFFFD0] =	vst v3  }
0x116: {  	[tilespmem:s9+$0xFFFFFFF0] =	vst v4;
	v3 =	vld [tilespmem:s9+$0x40]  }
0x117: {  	[tilespmem:s9+$0xFFFFFFE0] =	vst v2;
	v4 =	vld [tilespmem:s9+$0x10]  }
0x118: {  	s21 =	simm.s32 $0x4;
	s25 =	simm.s32 $0x4580;
	v2 =	vld.idx.msk [tilespmem:v9+s30+$0x0], $0xffff  }
.LBB2_5:
0x119: {  	p1 =	slt.u32 s21, $0x7C  }
0x11a: {  	v7 =	vld [tilespmem:s9+$0x50];
	s25 =	sadd.s32 $0x200, s25;
	s0 =	smov.u32 s21;
	s21 =	sadd.s32 $0x4, s21  }
0x11b: {  	v8 =	vld [tilespmem:s9+$0x70];
	_ =	sdelay $0x1  }
0x11c: {  	v5 =	vmul.f32 v5, v2;
	v6 =	vmul.f32 v6, v2  }
0x11d: {  	v3 =	vmul.f32 v3, v2;
	v4 =	vmul.f32 v4, v2  }
0x11e: {  	v0 =	vmul.f32 v0, v2;
	v1 =	vmul.f32 v1, v2;
	[tilespmem:s9+$0x60] =	vst v5  }
0x11f: {  	[tilespmem:s9+$0x40] =	vst v3;
	v3 =	vmul.f32 v7, v2;
	v2 =	vmul.f32 v8, v2  }
0x120: {  	s20 =	sadd.s32 $0x3, s31;
	s31 =	smov.u32 s0;
	[tilespmem:s9+$0x20] =	vst v0;
	v5 =	vld [tilespmem:s9+$0x80]  }
0x121: {  	v0 =	vld [tilespmem:s25+$0x20];
	[tilespmem:s9+$0x0] =	vst v6;
	v6 =	vmov s20  }
0x122: {  	[tilespmem:s9+$0x50] =	vst v3;
	v3 =	vld [tilespmem:s9+$0xE0]  }
0x123: {  	[tilespmem:s9+$0x30] =	vst v1;
	v7 =	vld [tilespmem:s9+$0xC0]  }
0x124: {  	v1 =	vld [tilespmem:s25+$0x30];
	[tilespmem:s9+$0x10] =	vst v4  }
0x125: {  	[tilespmem:s9+$0x70] =	vst v2;
	v2 =	vld [tilespmem:s9+$0xA0]  }
0x126: {  	v4 =	vld.idx.msk [tilespmem:v6+s30+$0x0], $0xffff  }
0x127: {  	v6 =	vld [tilespmem:s9+$0x90]  }
0x128: {  	v8 =	vld [tilespmem:s9+$0xB0]  }
0x129: {  	v9 =	vld [tilespmem:s9+$0xD0]  }
0x12a: {  	v10 =	vld [tilespmem:s9+$0xF0];
	_ =	sdelay $0x1  }
0x12b: {  	v5 =	vmul.f32 v5, v4;
	v6 =	vmul.f32 v6, v4  }
0x12c: {  	v2 =	vmul.f32 v2, v4;
	v8 =	vmul.f32 v8, v4  }
0x12d: {  	v11 =	vmov s31;
	[tilespmem:s9+$0x80] =	vst v5;
	v5 =	vmul.f32 v7, v4;
	v7 =	vmul.f32 v9, v4  }
0x12e: {  	v9 =	vand.u32 $0xFFFFFFFC, v11;
	[tilespmem:s9+$0xA0] =	vst v2;
	v2 =	vmul.f32 v3, v4;
	v3 =	vmul.f32 v10, v4  }
0x12f: {  	v4 =	vbroadcast v9, $0x0;
	[tilespmem:s9+$0xC0] =	vst v5  }
0x130: {  	[tilespmem:s9+$0xF0] =	vst v3  }
0x131: {  	v3 =	vld [tilespmem:s25+$0xFFFFFF40];
	[tilespmem:s9+$0xE0] =	vst v2  }
0x132: {  	v2 =	vld [tilespmem:s25+$0xFFFFFF50];
	[tilespmem:s9+$0x90] =	vst v6  }
0x133: {  	v5 =	vld [tilespmem:s25+$0xFFFFFF60];
	[tilespmem:s9+$0xB0] =	vst v8  }
0x134: {  	v6 =	vld [tilespmem:s25+$0xFFFFFF70];
	[tilespmem:s9+$0xD0] =	vst v7;
	s9 =	smov.u32 s25  }
0x135: {  	v4 =	vld.idx.msk [tilespmem:v4+s30+$0x0], $0xffff  }
0x136: {  	v7 =	vld [tilespmem:s25+$0xFFFFFF00]  }
0x137: {  	v8 =	vld [tilespmem:s25+$0xFFFFFF20]  }
0x138: {  	v9 =	vld [tilespmem:s25+$0xFFFFFF10]  }
0x139: {  	v10 =	vld [tilespmem:s25+$0xFFFFFF30];
	_ =	sdelay $0x1  }
0x13a: {  	v6 =	vmul.f32 v6, v4;
	v7 =	vmul.f32 v7, v4  }
0x13b: {  	s0 =	sadd.s32 $0x1, s31;
	v5 =	vmul.f32 v5, v4;
	v8 =	vmul.f32 v8, v4  }
0x13c: {  	v2 =	vmul.f32 v2, v4;
	v9 =	vmul.f32 v9, v4;
	[tilespmem:s25+$0xFFFFFF70] =	vst v6;
	v6 =	vmov s0  }
0x13d: {  	v3 =	vmul.f32 v3, v4;
	[tilespmem:s25+$0xFFFFFF00] =	vst v7;
	v7 =	vmul.f32 v10, v4;
	v4 =	vand.u32 $0xFFFFFFFD, v6  }
0x13e: {  	[tilespmem:s25+$0xFFFFFF20] =	vst v8;
	v4 =	vbroadcast v4, $0x0  }
0x13f: {  	[tilespmem:s25+$0xFFFFFF50] =	vst v2  }
0x140: {  	[tilespmem:s25+$0xFFFFFF40] =	vst v3;
	v2 =	vld [tilespmem:s25+$0xFFFFFFF0]  }
0x141: {  	[tilespmem:s25+$0xFFFFFF60] =	vst v5;
	v3 =	vld [tilespmem:s25+$0xFFFFFFC0]  }
0x142: {  	[tilespmem:s25+$0xFFFFFF30] =	vst v7;
	v5 =	vld [tilespmem:s25+$0xFFFFFFD0]  }
0x143: {  	[tilespmem:s25+$0xFFFFFF10] =	vst v9;
	v6 =	vld [tilespmem:s25+$0xFFFFFF90]  }
0x144: {  	v4 =	vld.idx.msk [tilespmem:v4+s30+$0x0], $0xffff  }
0x145: {  	v7 =	vld [tilespmem:s25+$0xFFFFFF80]  }
0x146: {  	v8 =	vld [tilespmem:s25+$0xFFFFFFA0]  }
0x147: {  	v9 =	vld [tilespmem:s25+$0xFFFFFFB0]  }
0x148: {  	v10 =	vld [tilespmem:s25+$0xFFFFFFE0];
	_ =	sdelay $0x1  }
0x149: {  	v6 =	vmul.f32 v6, v4;
	v7 =	vmul.f32 v7, v4  }
0x14a: {  	s0 =	sadd.s32 $0x2, s31;
	v5 =	vmul.f32 v5, v4;
	v8 =	vmul.f32 v8, v4  }
0x14b: {  	v3 =	vmul.f32 v3, v4;
	[tilespmem:s25+$0xFFFFFF90] =	vst v6;
	v6 =	vmul.f32 v9, v4;
	v9 =	vmov s0  }
0x14c: {  	v2 =	vmul.f32 v2, v4;
	[tilespmem:s25+$0xFFFFFFA0] =	vst v8;
	v8 =	vmul.f32 v10, v4;
	v4 =	vand.u32 $0xFFFFFFFE, v9  }
0x14d: {  	[tilespmem:s25+$0xFFFFFF80] =	vst v7;
	v4 =	vbroadcast v4, $0x0  }
0x14e: {  	[tilespmem:s25+$0xFFFFFFB0] =	vst v6  }
0x14f: {  	[tilespmem:s25+$0xFFFFFFC0] =	vst v3  }
0x150: {  	[tilespmem:s25+$0xFFFFFFD0] =	vst v5  }
.Ltmp3:
0x151: {  	[tilespmem:s25+$0xFFFFFFF0] =	vst v2;
	v3 =	vld [tilespmem:s25+$0x40];
	(pc) =	sbr.rel @p1 .LBB2_5-.Ltmp3, $4  }
0x152: {  	[tilespmem:s25+$0xFFFFFFE0] =	vst v8;
	v5 =	vld [tilespmem:s25+$0x60]  }
0x153: {  	v2 =	vld.idx.msk [tilespmem:v4+s30+$0x0], $0xffff  }
0x154: {  	v6 =	vld [tilespmem:s25+$0x0]  }
0x155: {  	v4 =	vld [tilespmem:s25+$0x10]  }
0x156: {  	_ =	sdelay $0x1  }
0x157: {  	v5 =	vmul.f32 v5, v2  }
0x158: {  	v7 =	vld [tilespmem:s9+$0x50];
	v3 =	vmul.f32 v3, v2  }
0x159: {  	v8 =	vld [tilespmem:s9+$0x70];
	v0 =	vmul.f32 v0, v2;
	[tilespmem:s9+$0x60] =	vst v5  }
0x15a: {  	v5 =	vmul.f32 v6, v2;
	[tilespmem:s9+$0x40] =	vst v3  }
0x15b: {  	s0 =	sadd.s32 $0x3, s31;
	[tilespmem:s9+$0x20] =	vst v0;
	v0 =	vmul.f32 v1, v2  }
0x15c: {  	v4 =	vmul.f32 v4, v2;
	[tilespmem:s9+$0x0] =	vst v5;
	v5 =	vmov s0  }
0x15d: {  	v3 =	vmul.f32 v7, v2;
	[tilespmem:s9+$0x30] =	vst v0  }
0x15e: {  	v2 =	vmul.f32 v8, v2;
	[tilespmem:s9+$0x10] =	vst v4  }
0x15f: {  	[tilespmem:s9+$0x50] =	vst v3  }
0x160: {  	v1 =	vld [tilespmem:s9+$0x80];
	[tilespmem:s9+$0x70] =	vst v2  }
0x161: {  	v0 =	vld.idx.msk [tilespmem:v5+s30+$0x0], $0xffff  }
0x162: {  	v2 =	vld [tilespmem:s9+$0xA0]  }
0x163: {  	v3 =	vld [tilespmem:s9+$0xC0]  }
0x164: {  	v4 =	vld [tilespmem:s9+$0xF0]  }
0x165: {  	v5 =	vld [tilespmem:s9+$0xE0]  }
0x166: {  	v6 =	vld [tilespmem:s9+$0x90];
	v1 =	vmul.f32 v1, v0  }
0x167: {  	v7 =	vld [tilespmem:s9+$0xB0];
	v2 =	vmul.f32 v2, v0  }
0x168: {  	v8 =	vld [tilespmem:s9+$0xD0];
	[tilespmem:s9+$0x80] =	vst v1;
	v1 =	vmul.f32 v3, v0  }
0x169: {  	[tilespmem:s9+$0xA0] =	vst v2;
	v2 =	vmul.f32 v4, v0  }
0x16a: {  	v3 =	vmul.f32 v5, v0;
	[tilespmem:s9+$0xC0] =	vst v1  }
0x16b: {  	v1 =	vmul.f32 v6, v0;
	[tilespmem:s9+$0xF0] =	vst v2  }
0x16c: {  	v2 =	vmul.f32 v7, v0;
	[tilespmem:s9+$0xE0] =	vst v3  }
0x16d: {  	v0 =	vmul.f32 v8, v0;
	[tilespmem:s9+$0x90] =	vst v1  }
0x16e: {  	p1 =	seq.s32 s23, $0x1A;
	[tilespmem:s9+$0xB0] =	vst v2  }
0x16f: {  	s0 =	simm.s32 @!p1 $0x7;
	[tilespmem:s9+$0xD0] =	vst v0  }
0x170: {  	[spmem:s1] =	stream.indirect.scatter.add.f32 [tilespmem:s8], [sflag:$0x8], $0x80, s29, s28, $0xb8;
	[tilespmem:$0x1FD00] =	vst v63  }
0x171: {  	s9 =	sadd.s32 @!p1 s24, s19;
	_ =	swait.ge @!p1 [sflag:s0], $0x4000  }
0x172: {  	s9 =	sshrl.u32 @!p1 s9, $0x3;
	[sflag:s0] =	ssyncset.done @!p1 $0x0  }
0x173: {  	s20 =	simm.s32 @!p1 $0x0;
	[sflag:s0] =	ssyncadd.s32 @!p1 $0xFFFFC000;
	s0 =	sadd.s32 @!p1 s4, s9  }
0x174: {  	[tilespmem:s20], [sflag:$0x1] =	stream.linear.gather @!p1 [hbm4b:s0+s20], $0x80, $0x38;
	[tilespmem:$0x1FD00] =	vst v63  }
0x175: {  	s21 =	simm.s32 @!p1 $0x180;
	s0 =	sadd.s32 @!p1 s5, s9  }
0x176: {  	[tilespmem:s21], [sflag:$0x1] =	stream.linear.gather @!p1 [hbm4b:s0+s20], $0x80, $0x38;
	[tilespmem:$0x1FD00] =	vst v63  }
0x177: {  	s0 =	sadd.s32 @!p1 s6, s9;
	s9 =	simm.s32 @!p1 $0x300  }
0x178: {  	[tilespmem:s9], [sflag:$0x1] =	stream.linear.gather @!p1 [hbm4b:s0+s20], $0x80, $0x38;
	[tilespmem:$0x1FD00] =	vst v63  }
0x179: {  	s0 =	simm.s32 @!p1 $0x1  }
0x17a: {  	_ =	swait.ge @!p1 [sflag:s0], $0x80  }
0x17b: {  	[sflag:s0] =	ssyncset.done @!p1 $0x0  }
0x17c: {  	[sflag:s0] =	ssyncadd.s32 @!p1 $0xFFFFFF80  }
0x17d: {  	_ =	swait.ge @!p1 [sflag:s0], $0x80  }
0x17e: {  	[sflag:s0] =	ssyncset.done @!p1 $0x0  }
0x17f: {  	s31 =	simm.s32 $0x0;
	[sflag:s0] =	ssyncadd.s32 @!p1 $0xFFFFFF80  }
0x180: {  	v0 =	vmov s31;
	_ =	swait.ge @!p1 [sflag:s0], $0x80  }
0x181: {  	v0 =	vand.u32 $0xFFFFFFFC, v0;
	[sflag:s0] =	ssyncset.done @!p1 $0x0  }
0x182: {  	v0 =	vbroadcast v0, $0x0;
	s9 =	simm.s32 @!p1 $0x480;
	[sflag:s0] =	ssyncadd.s32 @!p1 $0xFFFFFF80;
	s0 =	simm.s32 @!p1 $0x80  }
0x183: {  	[tilespmem:s9], [sflag:$0x4] =	stream.indirect.gather @!p1 [hbm4b:s3+s0], $0x80, s20, s0, $0xb8;
	[tilespmem:$0x1FD00] =	vst v63  }
0x184: {  	_ =	swait.ge [sflag:s17], $0x4000  }
0x185: {  	[sflag:s17] =	ssyncset.done $0x0  }
0x186: {  	s9 =	simm.s32 $0x8580;
	[sflag:s17] =	ssyncadd.s32 $0xFFFFC000  }
0x187: {  	v1 =	vld [tilespmem:s9+$0xFFFFFF70]  }
0x188: {  	v0 =	vld.idx.msk [tilespmem:v0+s13+$0x0], $0xffff  }
0x189: {  	v2 =	vld [tilespmem:s9+$0xFFFFFF00]  }
0x18a: {  	v3 =	vld [tilespmem:s9+$0xFFFFFF20]  }
0x18b: {  	v4 =	vld [tilespmem:s9+$0xFFFFFF50]  }
0x18c: {  	v5 =	vld [tilespmem:s9+$0xFFFFFF40]  }
0x18d: {  	v6 =	vld [tilespmem:s9+$0xFFFFFF60];
	v1 =	vmul.f32 v1, v0  }
0x18e: {  	s21 =	simm.s32 $0x1;
	v7 =	vld [tilespmem:s9+$0xFFFFFF30];
	v2 =	vmul.f32 v2, v0  }
0x18f: {  	v8 =	vld [tilespmem:s9+$0xFFFFFF10];
	v3 =	vmul.f32 v3, v0;
	[tilespmem:s9+$0xFFFFFF70] =	vst v1;
	v1 =	vmov s21  }
0x190: {  	v4 =	vmul.f32 v4, v0;
	[tilespmem:s9+$0xFFFFFF00] =	vst v2;
	v1 =	vand.u32 $0xFFFFFFFD, v1  }
0x191: {  	v2 =	vmul.f32 v5, v0;
	[tilespmem:s9+$0xFFFFFF20] =	vst v3;
	v1 =	vbroadcast v1, $0x0  }
0x192: {  	v3 =	vmul.f32 v6, v0;
	[tilespmem:s9+$0xFFFFFF50] =	vst v4  }
0x193: {  	v4 =	vmul.f32 v7, v0;
	[tilespmem:s9+$0xFFFFFF40] =	vst v2  }
0x194: {  	v0 =	vmul.f32 v8, v0;
	[tilespmem:s9+$0xFFFFFF60] =	vst v3  }
0x195: {  	[tilespmem:s9+$0xFFFFFF30] =	vst v4  }
0x196: {  	[tilespmem:s9+$0xFFFFFF10] =	vst v0;
	v0 =	vld [tilespmem:s9+$0xFFFFFF90]  }
0x197: {  	v2 =	vld.idx.msk [tilespmem:v1+s13+$0x0], $0xffff  }
0x198: {  	v1 =	vld [tilespmem:s9+$0xFFFFFFA0]  }
0x199: {  	v3 =	vld [tilespmem:s9+$0xFFFFFF80]  }
0x19a: {  	v4 =	vld [tilespmem:s9+$0xFFFFFFB0]  }
0x19b: {  	v5 =	vld [tilespmem:s9+$0xFFFFFFC0]  }
0x19c: {  	v6 =	vld [tilespmem:s9+$0xFFFFFFD0];
	v0 =	vmul.f32 v0, v2  }
0x19d: {  	s25 =	simm.s32 $0x2;
	v7 =	vld [tilespmem:s9+$0xFFFFFFF0];
	v1 =	vmul.f32 v1, v2  }
0x19e: {  	v8 =	vld [tilespmem:s9+$0xFFFFFFE0];
	v3 =	vmul.f32 v3, v2;
	[tilespmem:s9+$0xFFFFFF90] =	vst v0;
	v0 =	vmov s25  }
0x19f: {  	v4 =	vmul.f32 v4, v2;
	[tilespmem:s9+$0xFFFFFFA0] =	vst v1;
	v0 =	vand.u32 $0xFFFFFFFE, v0  }
0x1a0: {  	v1 =	vmul.f32 v5, v2;
	[tilespmem:s9+$0xFFFFFF80] =	vst v3;
	v5 =	vld [tilespmem:s9+$0x60];
	v9 =	vbroadcast v0, $0x0  }
0x1a1: {  	v3 =	vmul.f32 v6, v2;
	[tilespmem:s9+$0xFFFFFFB0] =	vst v4;
	v6 =	vld [tilespmem:s9+$0x0]  }
0x1a2: {  	v4 =	vmul.f32 v7, v2;
	v0 =	vld [tilespmem:s9+$0x20];
	[tilespmem:s9+$0xFFFFFFC0] =	vst v1  }
0x1a3: {  	v2 =	vmul.f32 v8, v2;
	v1 =	vld [tilespmem:s9+$0x30];
	[tilespmem:s9+$0xFFFFFFD0] =	vst v3  }
0x1a4: {  	[tilespmem:s9+$0xFFFFFFF0] =	vst v4;
	v3 =	vld [tilespmem:s9+$0x40]  }
0x1a5: {  	[tilespmem:s9+$0xFFFFFFE0] =	vst v2;
	v4 =	vld [tilespmem:s9+$0x10]  }
0x1a6: {  	s21 =	simm.s32 $0x4;
	s25 =	simm.s32 $0x8580;
	v2 =	vld.idx.msk [tilespmem:v9+s13+$0x0], $0xffff  }
.LBB2_7:
0x1a7: {  	p2 =	slt.u32 s21, $0x7C  }
0x1a8: {  	v7 =	vld [tilespmem:s9+$0x50];
	s25 =	sadd.s32 $0x200, s25;
	s0 =	smov.u32 s21;
	s21 =	sadd.s32 $0x4, s21  }
0x1a9: {  	v8 =	vld [tilespmem:s9+$0x70];
	_ =	sdelay $0x1  }
0x1aa: {  	v5 =	vmul.f32 v5, v2;
	v6 =	vmul.f32 v6, v2  }
0x1ab: {  	v3 =	vmul.f32 v3, v2;
	v4 =	vmul.f32 v4, v2  }
0x1ac: {  	v0 =	vmul.f32 v0, v2;
	v1 =	vmul.f32 v1, v2;
	[tilespmem:s9+$0x60] =	vst v5  }
0x1ad: {  	[tilespmem:s9+$0x40] =	vst v3;
	v3 =	vmul.f32 v7, v2;
	v2 =	vmul.f32 v8, v2  }
0x1ae: {  	s20 =	sadd.s32 $0x3, s31;
	s31 =	smov.u32 s0;
	[tilespmem:s9+$0x20] =	vst v0;
	v5 =	vld [tilespmem:s9+$0x80]  }
0x1af: {  	v0 =	vld [tilespmem:s25+$0x20];
	[tilespmem:s9+$0x0] =	vst v6;
	v6 =	vmov s20  }
0x1b0: {  	[tilespmem:s9+$0x50] =	vst v3;
	v3 =	vld [tilespmem:s9+$0xE0]  }
0x1b1: {  	[tilespmem:s9+$0x30] =	vst v1;
	v7 =	vld [tilespmem:s9+$0xC0]  }
0x1b2: {  	v1 =	vld [tilespmem:s25+$0x30];
	[tilespmem:s9+$0x10] =	vst v4  }
0x1b3: {  	[tilespmem:s9+$0x70] =	vst v2;
	v2 =	vld [tilespmem:s9+$0xA0]  }
0x1b4: {  	v4 =	vld.idx.msk [tilespmem:v6+s13+$0x0], $0xffff  }
0x1b5: {  	v6 =	vld [tilespmem:s9+$0x90]  }
0x1b6: {  	v8 =	vld [tilespmem:s9+$0xB0]  }
0x1b7: {  	v9 =	vld [tilespmem:s9+$0xD0]  }
0x1b8: {  	v10 =	vld [tilespmem:s9+$0xF0];
	_ =	sdelay $0x1  }
0x1b9: {  	v5 =	vmul.f32 v5, v4;
	v6 =	vmul.f32 v6, v4  }
0x1ba: {  	v2 =	vmul.f32 v2, v4;
	v8 =	vmul.f32 v8, v4  }
0x1bb: {  	v11 =	vmov s31;
	[tilespmem:s9+$0x80] =	vst v5;
	v5 =	vmul.f32 v7, v4;
	v7 =	vmul.f32 v9, v4  }
0x1bc: {  	v9 =	vand.u32 $0xFFFFFFFC, v11;
	[tilespmem:s9+$0xA0] =	vst v2;
	v2 =	vmul.f32 v3, v4;
	v3 =	vmul.f32 v10, v4  }
0x1bd: {  	v4 =	vbroadcast v9, $0x0;
	[tilespmem:s9+$0xC0] =	vst v5  }
0x1be: {  	[tilespmem:s9+$0xF0] =	vst v3  }
0x1bf: {  	v3 =	vld [tilespmem:s25+$0xFFFFFF40];
	[tilespmem:s9+$0xE0] =	vst v2  }
0x1c0: {  	v2 =	vld [tilespmem:s25+$0xFFFFFF50];
	[tilespmem:s9+$0x90] =	vst v6  }
0x1c1: {  	v5 =	vld [tilespmem:s25+$0xFFFFFF60];
	[tilespmem:s9+$0xB0] =	vst v8  }
0x1c2: {  	v6 =	vld [tilespmem:s25+$0xFFFFFF70];
	[tilespmem:s9+$0xD0] =	vst v7;
	s9 =	smov.u32 s25  }
0x1c3: {  	v4 =	vld.idx.msk [tilespmem:v4+s13+$0x0], $0xffff  }
0x1c4: {  	v7 =	vld [tilespmem:s25+$0xFFFFFF00]  }
0x1c5: {  	v8 =	vld [tilespmem:s25+$0xFFFFFF20]  }
0x1c6: {  	v9 =	vld [tilespmem:s25+$0xFFFFFF10]  }
0x1c7: {  	v10 =	vld [tilespmem:s25+$0xFFFFFF30];
	_ =	sdelay $0x1  }
0x1c8: {  	v6 =	vmul.f32 v6, v4;
	v7 =	vmul.f32 v7, v4  }
0x1c9: {  	s0 =	sadd.s32 $0x1, s31;
	v5 =	vmul.f32 v5, v4;
	v8 =	vmul.f32 v8, v4  }
0x1ca: {  	v2 =	vmul.f32 v2, v4;
	v9 =	vmul.f32 v9, v4;
	[tilespmem:s25+$0xFFFFFF70] =	vst v6;
	v6 =	vmov s0  }
0x1cb: {  	v3 =	vmul.f32 v3, v4;
	[tilespmem:s25+$0xFFFFFF00] =	vst v7;
	v7 =	vmul.f32 v10, v4;
	v4 =	vand.u32 $0xFFFFFFFD, v6  }
0x1cc: {  	[tilespmem:s25+$0xFFFFFF20] =	vst v8;
	v4 =	vbroadcast v4, $0x0  }
0x1cd: {  	[tilespmem:s25+$0xFFFFFF50] =	vst v2  }
0x1ce: {  	[tilespmem:s25+$0xFFFFFF40] =	vst v3;
	v2 =	vld [tilespmem:s25+$0xFFFFFFF0]  }
0x1cf: {  	[tilespmem:s25+$0xFFFFFF60] =	vst v5;
	v3 =	vld [tilespmem:s25+$0xFFFFFFC0]  }
0x1d0: {  	[tilespmem:s25+$0xFFFFFF30] =	vst v7;
	v5 =	vld [tilespmem:s25+$0xFFFFFFD0]  }
0x1d1: {  	[tilespmem:s25+$0xFFFFFF10] =	vst v9;
	v6 =	vld [tilespmem:s25+$0xFFFFFF90]  }
0x1d2: {  	v4 =	vld.idx.msk [tilespmem:v4+s13+$0x0], $0xffff  }
0x1d3: {  	v7 =	vld [tilespmem:s25+$0xFFFFFF80]  }
0x1d4: {  	v8 =	vld [tilespmem:s25+$0xFFFFFFA0]  }
0x1d5: {  	v9 =	vld [tilespmem:s25+$0xFFFFFFB0]  }
0x1d6: {  	v10 =	vld [tilespmem:s25+$0xFFFFFFE0];
	_ =	sdelay $0x1  }
0x1d7: {  	v6 =	vmul.f32 v6, v4;
	v7 =	vmul.f32 v7, v4  }
0x1d8: {  	s0 =	sadd.s32 $0x2, s31;
	v5 =	vmul.f32 v5, v4;
	v8 =	vmul.f32 v8, v4  }
0x1d9: {  	v3 =	vmul.f32 v3, v4;
	[tilespmem:s25+$0xFFFFFF90] =	vst v6;
	v6 =	vmul.f32 v9, v4;
	v9 =	vmov s0  }
0x1da: {  	v2 =	vmul.f32 v2, v4;
	[tilespmem:s25+$0xFFFFFFA0] =	vst v8;
	v8 =	vmul.f32 v10, v4;
	v4 =	vand.u32 $0xFFFFFFFE, v9  }
0x1db: {  	[tilespmem:s25+$0xFFFFFF80] =	vst v7;
	v4 =	vbroadcast v4, $0x0  }
0x1dc: {  	[tilespmem:s25+$0xFFFFFFB0] =	vst v6  }
0x1dd: {  	[tilespmem:s25+$0xFFFFFFC0] =	vst v3  }
0x1de: {  	[tilespmem:s25+$0xFFFFFFD0] =	vst v5  }
.Ltmp4:
0x1df: {  	[tilespmem:s25+$0xFFFFFFF0] =	vst v2;
	v3 =	vld [tilespmem:s25+$0x40];
	(pc) =	sbr.rel @p2 .LBB2_7-.Ltmp4, $4  }
0x1e0: {  	[tilespmem:s25+$0xFFFFFFE0] =	vst v8;
	v5 =	vld [tilespmem:s25+$0x60]  }
0x1e1: {  	v2 =	vld.idx.msk [tilespmem:v4+s13+$0x0], $0xffff  }
0x1e2: {  	v6 =	vld [tilespmem:s25+$0x0]  }
0x1e3: {  	v4 =	vld [tilespmem:s25+$0x10]  }
0x1e4: {  	_ =	sdelay $0x1  }
0x1e5: {  	v5 =	vmul.f32 v5, v2  }
0x1e6: {  	v7 =	vld [tilespmem:s9+$0x50];
	v3 =	vmul.f32 v3, v2  }
0x1e7: {  	v8 =	vld [tilespmem:s9+$0x70];
	v0 =	vmul.f32 v0, v2;
	[tilespmem:s9+$0x60] =	vst v5  }
0x1e8: {  	v48 =	vmul.f32 v1, v2;
	[tilespmem:s9+$0x40] =	vst v3  }
0x1e9: {  	s0 =	sadd.s32 $0x3, s31;
	v46 =	vmul.f32 v6, v2;
	[tilespmem:s9+$0x20] =	vst v0  }
0x1ea: {  	v50 =	vmov s0;
	v4 =	vmul.f32 v4, v2;
	[tilespmem:s9+$0x30] =	vst v48  }
0x1eb: {  	v47 =	vmul.f32 v7, v2;
	[tilespmem:s9+$0x0] =	vst v46  }
0x1ec: {  	v51 =	vmul.f32 v8, v2;
	[tilespmem:s9+$0x10] =	vst v4  }
0x1ed: {  	[tilespmem:s9+$0x50] =	vst v47  }
0x1ee: {  	v49 =	vld [tilespmem:s9+$0x80];
	[tilespmem:s9+$0x70] =	vst v51  }
0x1ef: {  	v0 =	vld.idx.msk [tilespmem:v50+s13+$0x0], $0xffff  }
0x1f0: {  	v52 =	vld [tilespmem:s9+$0xA0]  }
0x1f1: {  	v53 =	vld [tilespmem:s9+$0xC0]  }
0x1f2: {  	v54 =	vld [tilespmem:s9+$0xF0]  }
0x1f3: {  	v55 =	vld [tilespmem:s9+$0xE0]  }
0x1f4: {  	v56 =	vld [tilespmem:s9+$0x90];
	v1 =	vmul.f32 v49, v0  }
0x1f5: {  	v57 =	vld [tilespmem:s9+$0xB0];
	v2 =	vmul.f32 v52, v0  }
0x1f6: {  	v58 =	vld [tilespmem:s9+$0xD0];
	v59 =	vmul.f32 v53, v0;
	[tilespmem:s9+$0x80] =	vst v1  }
0x1f7: {  	v60 =	vmul.f32 v54, v0;
	[tilespmem:s9+$0xA0] =	vst v2  }
0x1f8: {  	v61 =	vmul.f32 v55, v0;
	[tilespmem:s9+$0xC0] =	vst v59  }
0x1f9: {  	v62 =	vmul.f32 v56, v0;
	[tilespmem:s9+$0xF0] =	vst v60  }
.Ltmp5:
0x1fa: {  	v63 =	vmul.f32 v57, v0;
	[tilespmem:s9+$0xE0] =	vst v61;
	(pc) =	sbr.rel @p1 .LBB2_10-.Ltmp5, $4  }
0x1fb: {  	v0 =	vmul.f32 v58, v0;
	[tilespmem:s9+$0x90] =	vst v62  }
0x1fc: {  	[tilespmem:s9+$0xB0] =	vst v63  }
0x1fd: {  	[tilespmem:s9+$0xD0] =	vst v0  }
0x1fe: {  	[spmem:s1] =	stream.indirect.scatter.add.f32 [tilespmem:s15], [sflag:$0x9], $0x80, s12, s28, $0xb8;
	[tilespmem:$0x1FD00] =	vst v63  }
0x1ff: {  	_ =	swait.ge [sflag:s22], $0x4000  }
0x200: {  	s0 =	rddreg [dreg:$0xe]  }
0x201: {  	s0 =	sadd.s32 s24, s0  }
0x202: {  	[sflag:s22] =	ssyncset.done $0x0;
	s0 =	sshrl.u32 s0, $0x3  }
0x203: {  	[sflag:s22] =	ssyncadd.s32 $0xFFFFC000;
	s9 =	sadd.s32 s4, s0  }
0x204: {  	[tilespmem:s28], [sflag:$0x2] =	stream.linear.gather [hbm4b:s9+s2], $0x80, $0x38;
	[tilespmem:$0x1FD00] =	vst v63  }
.Ltmp6:
0x205: {  	_ = 	snop;
	(pc) =	sbr.rel .LBB2_2-.Ltmp6, $4  }
0x206: {  	s31 =	sadd.s32 s5, s0  }
0x207: {  	[tilespmem:s29], [sflag:$0x2] =	stream.linear.gather [hbm4b:s31+s2], $0x80, $0x38;
	[tilespmem:$0x1FD00] =	vst v63  }
0x208: {  	s23 =	sadd.s32 $0x1, s23;
	s0 =	sadd.s32 s6, s0  }
0x209: {  	[tilespmem:s30], [sflag:$0x2] =	stream.linear.gather [hbm4b:s0+s2], $0x80, $0x38;
	[tilespmem:$0x1FD00] =	vst v63  }
.LBB2_11:
0x20a: {  	_ =	sfence.sel $0x180000  }
0x20b: {  	[bflag:$0x0] =	sbarrier.arrive $0xFFFF  }
0x20c: {  	_ =	strace $0x90000047  }
0x20d: {  	[bflag:$0x2] =	sbarrier.arrive $0xFFFF  }
0x20e: {  	s0 =	rddreg [dreg:$0x2]  }
0x20f: {  	s0 =	sadd.s32 @!p0 $0x100000, s0  }
0x210: {  	[sflag:s0] =	ssyncadd.tile.s32 @!p0 $0x1;
	_ =	shalt  }
.Lfunc_end2:
_tile_overlayer_lowered:
.L_overlay_start_2:
0x211: {  	(tag) =	ssettag $0x2  }
0x212: {  	s0 =	rddreg [dreg:$0x0];
	s2 =	stileid.u32  }
0x213: {  	s1 =	rddreg [dreg:$0x1];
	p0 =	sne.s32 s2, $0x0  }
0x214: {  	s3 =	rddreg [dreg:$0x2];
	[bflag:$0x3] =	sbarrier.arrive $0xFFFF;
	s2 =	simm.s32 @!p0 $0x1C0A  }
0x215: {  	[timem:s3], [sflag:s2] =	dma.local @!p0 [hbm:s0], s1  }
0x216: {  	s0 =	simm.s32 @!p0 $0xA  }
0x217: {  	_ =	swait.ge @!p0 [sflag:s0], s1  }
0x218: {  	s1 =	ssub.s32 @!p0 $0x0, s1;
	[sflag:s0] =	ssyncset.done @!p0 $0x0  }
0x219: {  	[sflag:s0] =	ssyncadd.s32 @!p0 s1  }
0x21a: {  	[bflag:$0x3] =	sbarrier.arrive $0xFFFF  }
0x21b: {  	_ =	shalt  }

</sc_bundles>
